<compile_context>
chip_gen: v7x
topology: tpu7x:2x2x1
jax: 0.10.2.dev20260603
libtpu: 0.0.44.dev20260713+nightly
codegen_flags: <defaults>
</compile_context>

<pallas_src>
import dataclasses

import jax
import jax.numpy as jnp
from jax import lax
from jax.experimental import pallas as pl
from jax.experimental.pallas import tpu as pltpu
from jax.experimental.pallas import tpu_sc as plsc

B = 1024
H = 200
V = 1000
NC = 2
NS = 16
L = 16
NW = NC * NS
RPW = B // NW
FULL = H // L
INV_H = 1.0 / H

_cp = pltpu.CompilerParams(has_side_effects=True)
if "needs_layout_passes" in pltpu.CompilerParams.__dataclass_fields__:
    _cp = dataclasses.replace(_cp, needs_layout_passes=False)


def _body(a_hbm, out_hbm, a_v, hist_v, sem):
    wid = lax.axis_index("s") * NC + lax.axis_index("c")
    row0 = wid * RPW

    in_cp = pltpu.async_copy(a_hbm.at[pl.ds(row0, RPW)], a_v, sem)

    zeros = jnp.zeros((L,), jnp.float32)

    @plsc.parallel_loop(0, RPW)
    def _zero(r):
        for j in range(V // L):
            hist_v[r, pl.ds(j * L, L)] = zeros
        hist_v[r, pl.ds(V - L, L)] = zeros

    in_cp.wait()

    iota = lax.iota(jnp.int32, L)
    tail_mask = iota >= 8
    val = jnp.full((L,), INV_H, jnp.float32)

    @plsc.parallel_loop(0, RPW)
    def _row(r):
        row = jnp.broadcast_to(r, (L,)).astype(jnp.int32)
        for j in range(FULL):
            idx = a_v[r, pl.ds(j * L, L)]
            plsc.addupdate_scatter(hist_v, [row, idx], val)
        idx = a_v[r, pl.ds(H - L, L)]
        plsc.addupdate_scatter(hist_v, [row, idx], val, mask=tail_mask)

    pltpu.sync_copy(hist_v, out_hbm.at[pl.ds(row0, RPW)])


@jax.jit
def kernel(assignments):
    mesh = plsc.VectorSubcoreMesh(
        core_axis_name="c", subcore_axis_name="s", num_cores=NC, num_subcores=NS
    )
    run = pl.kernel(
        _body,
        out_type=jax.ShapeDtypeStruct((B, V), jnp.float32),
        mesh=mesh,
        scratch_types=[
            pltpu.VMEM((RPW, H), jnp.int32),
            pltpu.VMEM((RPW, V), jnp.float32),
            pltpu.SemaphoreType.DMA,
        ],
        compiler_params=_cp,
    )
    return run(assignments)

# --- scband reference (transcript-rebuilt; emitter-appended) ---
"""Pipeline reference for scband-xterm-frequency-5471788335935 (READ-ONLY COPY).

The authoritative reference and input builder live on the scoring server;
editing this copy changes nothing except your own understanding.
"""

import jax, jax.numpy as jnp
import numpy as np

VOCAB_SIZE = 1000
BATCH = 1024
HIST_LEN = 200


def setup_inputs(seed: int = 0) -> dict:
    key = jax.random.key(seed)
    assignments = jax.random.randint(key, (BATCH, HIST_LEN), 0, VOCAB_SIZE, dtype=jnp.int32)
    return {"assignments": assignments}


def reference(assignments):
    # Faithful translation of XTermFrequency.forward:
    # counts = (assignments[..., None] == arange(vocab)[None, None, :]).sum(dim=1)
    # frequency = counts / counts.sum(dim=-1, keepdim=True)
    vocab_ids = jnp.arange(VOCAB_SIZE, dtype=assignments.dtype)
    counts = (assignments[..., None] == vocab_ids[None, None, :]).sum(axis=1)
    frequency = counts / counts.sum(axis=-1, keepdims=True)
    return frequency

if __name__ == "__main__":
    import jax
    _d = setup_inputs()
    print(jax.jit(kernel)(*tuple(_d.values())))

</pallas_src>

<mosaic_0001>
#map = affine_map<(d0, d1) -> (0, 0)>
module attributes {stable_mosaic.version = 14 : i64} {
  func.func @_body(%arg0: i32, %arg1: i32, %arg2: memref<1024x200xi32, #tpu.memory_space<hbm>>, %arg3: memref<1024x1000xf32, #tpu.memory_space<hbm>>, %arg4: memref<32x200xi32, #tpu.memory_space<vmem>>, %arg5: memref<32x1000xf32, #tpu.memory_space<vmem>>, %arg6: memref<!tpu.dma_semaphore, #tpu.memory_space<semaphore_mem>>) attributes {dimension_semantics = [#tpu.dimension_semantics<core_parallel>, #tpu.dimension_semantics<subcore_parallel>], iteration_bounds = array<i64: 2, 16>, scalar_prefetch = 0 : i64, scratch_operands = 3 : i64, tpu.core_type = #tpu.core_type<sc_vector_subcore>, window_params = [{transform_indices = #map}, {transform_indices = #map}]} {
    %mul3A = arith.constant 2 : i32
    %mul3A_0 = arith.muli %arg1, %mul3A : i32
    %add3A = arith.addi %mul3A_0, %arg0 : i32
    %mul3A_1 = arith.constant 32 : i32
    %mul3A_2 = arith.muli %add3A, %mul3A_1 : i32
    %dma_start3A = arith.constant 0 : i32
    %dma_start3A_3 = tpu.memref_slice %arg2[%mul3A_2, %dma_start3A] : memref<1024x200xi32, #tpu.memory_space<hbm>> -> memref<32x200xi32, #tpu.memory_space<hbm>>
    %dma_start3A_4 = arith.constant 0 : i32
    %dma_start3A_5 = tpu.memref_slice %arg2[%mul3A_2, %dma_start3A_4] : memref<1024x200xi32, #tpu.memory_space<hbm>> -> memref<32x200xi32, #tpu.memory_space<hbm>>
    tpu.enqueue_dma source(%dma_start3A_5 : memref<32x200xi32, #tpu.memory_space<hbm>>) target(%arg4 : memref<32x200xi32, #tpu.memory_space<vmem>>) target_semaphore(%arg6 : memref<!tpu.dma_semaphore, #tpu.memory_space<semaphore_mem>>)
    %broadcast_in_dim3A = arith.constant 0.000000e+00 : f32
    %broadcast_in_dim3A_6 = vector.broadcast %broadcast_in_dim3A : f32 to vector<16xf32>
    %parallel_loop3A = arith.constant 0 : i32
    %parallel_loop3A_7 = arith.constant 32 : i32
    %parallel_loop3A_8 = arith.constant 1 : i32
    scf.for %parallel_loop3A_19 = %parallel_loop3A to %parallel_loop3A_7 step %parallel_loop3A_8  : i32 {
      %parallel_loop3A_20 = arith.index_cast %parallel_loop3A_19 : i32 to index
      %parallel_loop3A_21 = arith.constant 0 : index
      %parallel_loop3A_22 = tpu.vector_load %arg5[%parallel_loop3A_20, %parallel_loop3A_21] {strides = array<i32>} : memref<32x1000xf32, #tpu.memory_space<vmem>>, vector<16xf32>,
      tpu.vector_store %arg5[%parallel_loop3A_20, %parallel_loop3A_21], %broadcast_in_dim3A_6 {strides = array<i32>} : memref<32x1000xf32, #tpu.memory_space<vmem>>, vector<16xf32>,
      %parallel_loop3A_23 = arith.index_cast %parallel_loop3A_19 : i32 to index
      %parallel_loop3A_24 = arith.constant 16 : index
      %parallel_loop3A_25 = tpu.vector_load %arg5[%parallel_loop3A_23, %parallel_loop3A_24] {strides = array<i32>} : memref<32x1000xf32, #tpu.memory_space<vmem>>, vector<16xf32>,
      tpu.vector_store %arg5[%parallel_loop3A_23, %parallel_loop3A_24], %broadcast_in_dim3A_6 {strides = array<i32>} : memref<32x1000xf32, #tpu.memory_space<vmem>>, vector<16xf32>,
      %parallel_loop3A_26 = arith.index_cast %parallel_loop3A_19 : i32 to index
      %parallel_loop3A_27 = arith.constant 32 : index
      %parallel_loop3A_28 = tpu.vector_load %arg5[%parallel_loop3A_26, %parallel_loop3A_27] {strides = array<i32>} : memref<32x1000xf32, #tpu.memory_space<vmem>>, vector<16xf32>,
      tpu.vector_store %arg5[%parallel_loop3A_26, %parallel_loop3A_27], %broadcast_in_dim3A_6 {strides = array<i32>} : memref<32x1000xf32, #tpu.memory_space<vmem>>, vector<16xf32>,
      %parallel_loop3A_29 = arith.index_cast %parallel_loop3A_19 : i32 to index
      %parallel_loop3A_30 = arith.constant 48 : index
      %parallel_loop3A_31 = tpu.vector_load %arg5[%parallel_loop3A_29, %parallel_loop3A_30] {strides = array<i32>} : memref<32x1000xf32, #tpu.memory_space<vmem>>, vector<16xf32>,
      tpu.vector_store %arg5[%parallel_loop3A_29, %parallel_loop3A_30], %broadcast_in_dim3A_6 {strides = array<i32>} : memref<32x1000xf32, #tpu.memory_space<vmem>>, vector<16xf32>,
      %parallel_loop3A_32 = arith.index_cast %parallel_loop3A_19 : i32 to index
      %parallel_loop3A_33 = arith.constant 64 : index
      %parallel_loop3A_34 = tpu.vector_load %arg5[%parallel_loop3A_32, %parallel_loop3A_33] {strides = array<i32>} : memref<32x1000xf32, #tpu.memory_space<vmem>>, vector<16xf32>,
      tpu.vector_store %arg5[%parallel_loop3A_32, %parallel_loop3A_33], %broadcast_in_dim3A_6 {strides = array<i32>} : memref<32x1000xf32, #tpu.memory_space<vmem>>, vector<16xf32>,
      %parallel_loop3A_35 = arith.index_cast %parallel_loop3A_19 : i32 to index
      %parallel_loop3A_36 = arith.constant 80 : index
      %parallel_loop3A_37 = tpu.vector_load %arg5[%parallel_loop3A_35, %parallel_loop3A_36] {strides = array<i32>} : memref<32x1000xf32, #tpu.memory_space<vmem>>, vector<16xf32>,
      tpu.vector_store %arg5[%parallel_loop3A_35, %parallel_loop3A_36], %broadcast_in_dim3A_6 {strides = array<i32>} : memref<32x1000xf32, #tpu.memory_space<vmem>>, vector<16xf32>,
      %parallel_loop3A_38 = arith.index_cast %parallel_loop3A_19 : i32 to index
      %parallel_loop3A_39 = arith.constant 96 : index
      %parallel_loop3A_40 = tpu.vector_load %arg5[%parallel_loop3A_38, %parallel_loop3A_39] {strides = array<i32>} : memref<32x1000xf32, #tpu.memory_space<vmem>>, vector<16xf32>,
      tpu.vector_store %arg5[%parallel_loop3A_38, %parallel_loop3A_39], %broadcast_in_dim3A_6 {strides = array<i32>} : memref<32x1000xf32, #tpu.memory_space<vmem>>, vector<16xf32>,
      %parallel_loop3A_41 = arith.index_cast %parallel_loop3A_19 : i32 to index
      %parallel_loop3A_42 = arith.constant 112 : index
      %parallel_loop3A_43 = tpu.vector_load %arg5[%parallel_loop3A_41, %parallel_loop3A_42] {strides = array<i32>} : memref<32x1000xf32, #tpu.memory_space<vmem>>, vector<16xf32>,
      tpu.vector_store %arg5[%parallel_loop3A_41, %parallel_loop3A_42], %broadcast_in_dim3A_6 {strides = array<i32>} : memref<32x1000xf32, #tpu.memory_space<vmem>>, vector<16xf32>,
      %parallel_loop3A_44 = arith.index_cast %parallel_loop3A_19 : i32 to index
      %parallel_loop3A_45 = arith.constant 128 : index
      %parallel_loop3A_46 = tpu.vector_load %arg5[%parallel_loop3A_44, %parallel_loop3A_45] {strides = array<i32>} : memref<32x1000xf32, #tpu.memory_space<vmem>>, vector<16xf32>,
      tpu.vector_store %arg5[%parallel_loop3A_44, %parallel_loop3A_45], %broadcast_in_dim3A_6 {strides = array<i32>} : memref<32x1000xf32, #tpu.memory_space<vmem>>, vector<16xf32>,
      %parallel_loop3A_47 = arith.index_cast %parallel_loop3A_19 : i32 to index
      %parallel_loop3A_48 = arith.constant 144 : index
      %parallel_loop3A_49 = tpu.vector_load %arg5[%parallel_loop3A_47, %parallel_loop3A_48] {strides = array<i32>} : memref<32x1000xf32, #tpu.memory_space<vmem>>, vector<16xf32>,
      tpu.vector_store %arg5[%parallel_loop3A_47, %parallel_loop3A_48], %broadcast_in_dim3A_6 {strides = array<i32>} : memref<32x1000xf32, #tpu.memory_space<vmem>>, vector<16xf32>,
      %parallel_loop3A_50 = arith.index_cast %parallel_loop3A_19 : i32 to index
      %parallel_loop3A_51 = arith.constant 160 : index
      %parallel_loop3A_52 = tpu.vector_load %arg5[%parallel_loop3A_50, %parallel_loop3A_51] {strides = array<i32>} : memref<32x1000xf32, #tpu.memory_space<vmem>>, vector<16xf32>,
      tpu.vector_store %arg5[%parallel_loop3A_50, %parallel_loop3A_51], %broadcast_in_dim3A_6 {strides = array<i32>} : memref<32x1000xf32, #tpu.memory_space<vmem>>, vector<16xf32>,
      %parallel_loop3A_53 = arith.index_cast %parallel_loop3A_19 : i32 to index
      %parallel_loop3A_54 = arith.constant 176 : index
      %parallel_loop3A_55 = tpu.vector_load %arg5[%parallel_loop3A_53, %parallel_loop3A_54] {strides = array<i32>} : memref<32x1000xf32, #tpu.memory_space<vmem>>, vector<16xf32>,
      tpu.vector_store %arg5[%parallel_loop3A_53, %parallel_loop3A_54], %broadcast_in_dim3A_6 {strides = array<i32>} : memref<32x1000xf32, #tpu.memory_space<vmem>>, vector<16xf32>,
      %parallel_loop3A_56 = arith.index_cast %parallel_loop3A_19 : i32 to index
      %parallel_loop3A_57 = arith.constant 192 : index
      %parallel_loop3A_58 = tpu.vector_load %arg5[%parallel_loop3A_56, %parallel_loop3A_57] {strides = array<i32>} : memref<32x1000xf32, #tpu.memory_space<vmem>>, vector<16xf32>,
      tpu.vector_store %arg5[%parallel_loop3A_56, %parallel_loop3A_57], %broadcast_in_dim3A_6 {strides = array<i32>} : memref<32x1000xf32, #tpu.memory_space<vmem>>, vector<16xf32>,
      %parallel_loop3A_59 = arith.index_cast %parallel_loop3A_19 : i32 to index
      %parallel_loop3A_60 = arith.constant 208 : index
      %parallel_loop3A_61 = tpu.vector_load %arg5[%parallel_loop3A_59, %parallel_loop3A_60] {strides = array<i32>} : memref<32x1000xf32, #tpu.memory_space<vmem>>, vector<16xf32>,
      tpu.vector_store %arg5[%parallel_loop3A_59, %parallel_loop3A_60], %broadcast_in_dim3A_6 {strides = array<i32>} : memref<32x1000xf32, #tpu.memory_space<vmem>>, vector<16xf32>,
      %parallel_loop3A_62 = arith.index_cast %parallel_loop3A_19 : i32 to index
      %parallel_loop3A_63 = arith.constant 224 : index
      %parallel_loop3A_64 = tpu.vector_load %arg5[%parallel_loop3A_62, %parallel_loop3A_63] {strides = array<i32>} : memref<32x1000xf32, #tpu.memory_space<vmem>>, vector<16xf32>,
      tpu.vector_store %arg5[%parallel_loop3A_62, %parallel_loop3A_63], %broadcast_in_dim3A_6 {strides = array<i32>} : memref<32x1000xf32, #tpu.memory_space<vmem>>, vector<16xf32>,
      %parallel_loop3A_65 = arith.index_cast %parallel_loop3A_19 : i32 to index
      %parallel_loop3A_66 = arith.constant 240 : index
      %parallel_loop3A_67 = tpu.vector_load %arg5[%parallel_loop3A_65, %parallel_loop3A_66] {strides = array<i32>} : memref<32x1000xf32, #tpu.memory_space<vmem>>, vector<16xf32>,
      tpu.vector_store %arg5[%parallel_loop3A_65, %parallel_loop3A_66], %broadcast_in_dim3A_6 {strides = array<i32>} : memref<32x1000xf32, #tpu.memory_space<vmem>>, vector<16xf32>,
      %parallel_loop3A_68 = arith.index_cast %parallel_loop3A_19 : i32 to index
      %parallel_loop3A_69 = arith.constant 256 : index
      %parallel_loop3A_70 = tpu.vector_load %arg5[%parallel_loop3A_68, %parallel_loop3A_69] {strides = array<i32>} : memref<32x1000xf32, #tpu.memory_space<vmem>>, vector<16xf32>,
      tpu.vector_store %arg5[%parallel_loop3A_68, %parallel_loop3A_69], %broadcast_in_dim3A_6 {strides = array<i32>} : memref<32x1000xf32, #tpu.memory_space<vmem>>, vector<16xf32>,
      %parallel_loop3A_71 = arith.index_cast %parallel_loop3A_19 : i32 to index
      %parallel_loop3A_72 = arith.constant 272 : index
      %parallel_loop3A_73 = tpu.vector_load %arg5[%parallel_loop3A_71, %parallel_loop3A_72] {strides = array<i32>} : memref<32x1000xf32, #tpu.memory_space<vmem>>, vector<16xf32>,
      tpu.vector_store %arg5[%parallel_loop3A_71, %parallel_loop3A_72], %broadcast_in_dim3A_6 {strides = array<i32>} : memref<32x1000xf32, #tpu.memory_space<vmem>>, vector<16xf32>,
      %parallel_loop3A_74 = arith.index_cast %parallel_loop3A_19 : i32 to index
      %parallel_loop3A_75 = arith.constant 288 : index
      %parallel_loop3A_76 = tpu.vector_load %arg5[%parallel_loop3A_74, %parallel_loop3A_75] {strides = array<i32>} : memref<32x1000xf32, #tpu.memory_space<vmem>>, vector<16xf32>,
      tpu.vector_store %arg5[%parallel_loop3A_74, %parallel_loop3A_75], %broadcast_in_dim3A_6 {strides = array<i32>} : memref<32x1000xf32, #tpu.memory_space<vmem>>, vector<16xf32>,
      %parallel_loop3A_77 = arith.index_cast %parallel_loop3A_19 : i32 to index
      %parallel_loop3A_78 = arith.constant 304 : index
      %parallel_loop3A_79 = tpu.vector_load %arg5[%parallel_loop3A_77, %parallel_loop3A_78] {strides = array<i32>} : memref<32x1000xf32, #tpu.memory_space<vmem>>, vector<16xf32>,
      tpu.vector_store %arg5[%parallel_loop3A_77, %parallel_loop3A_78], %broadcast_in_dim3A_6 {strides = array<i32>} : memref<32x1000xf32, #tpu.memory_space<vmem>>, vector<16xf32>,
      %parallel_loop3A_80 = arith.index_cast %parallel_loop3A_19 : i32 to index
      %parallel_loop3A_81 = arith.constant 320 : index
      %parallel_loop3A_82 = tpu.vector_load %arg5[%parallel_loop3A_80, %parallel_loop3A_81] {strides = array<i32>} : memref<32x1000xf32, #tpu.memory_space<vmem>>, vector<16xf32>,
      tpu.vector_store %arg5[%parallel_loop3A_80, %parallel_loop3A_81], %broadcast_in_dim3A_6 {strides = array<i32>} : memref<32x1000xf32, #tpu.memory_space<vmem>>, vector<16xf32>,
      %parallel_loop3A_83 = arith.index_cast %parallel_loop3A_19 : i32 to index
      %parallel_loop3A_84 = arith.constant 336 : index
      %parallel_loop3A_85 = tpu.vector_load %arg5[%parallel_loop3A_83, %parallel_loop3A_84] {strides = array<i32>} : memref<32x1000xf32, #tpu.memory_space<vmem>>, vector<16xf32>,
      tpu.vector_store %arg5[%parallel_loop3A_83, %parallel_loop3A_84], %broadcast_in_dim3A_6 {strides = array<i32>} : memref<32x1000xf32, #tpu.memory_space<vmem>>, vector<16xf32>,
      %parallel_loop3A_86 = arith.index_cast %parallel_loop3A_19 : i32 to index
      %parallel_loop3A_87 = arith.constant 352 : index
      %parallel_loop3A_88 = tpu.vector_load %arg5[%parallel_loop3A_86, %parallel_loop3A_87] {strides = array<i32>} : memref<32x1000xf32, #tpu.memory_space<vmem>>, vector<16xf32>,
      tpu.vector_store %arg5[%parallel_loop3A_86, %parallel_loop3A_87], %broadcast_in_dim3A_6 {strides = array<i32>} : memref<32x1000xf32, #tpu.memory_space<vmem>>, vector<16xf32>,
      %parallel_loop3A_89 = arith.index_cast %parallel_loop3A_19 : i32 to index
      %parallel_loop3A_90 = arith.constant 368 : index
      %parallel_loop3A_91 = tpu.vector_load %arg5[%parallel_loop3A_89, %parallel_loop3A_90] {strides = array<i32>} : memref<32x1000xf32, #tpu.memory_space<vmem>>, vector<16xf32>,
      tpu.vector_store %arg5[%parallel_loop3A_89, %parallel_loop3A_90], %broadcast_in_dim3A_6 {strides = array<i32>} : memref<32x1000xf32, #tpu.memory_space<vmem>>, vector<16xf32>,
      %parallel_loop3A_92 = arith.index_cast %parallel_loop3A_19 : i32 to index
      %parallel_loop3A_93 = arith.constant 384 : index
      %parallel_loop3A_94 = tpu.vector_load %arg5[%parallel_loop3A_92, %parallel_loop3A_93] {strides = array<i32>} : memref<32x1000xf32, #tpu.memory_space<vmem>>, vector<16xf32>,
      tpu.vector_store %arg5[%parallel_loop3A_92, %parallel_loop3A_93], %broadcast_in_dim3A_6 {strides = array<i32>} : memref<32x1000xf32, #tpu.memory_space<vmem>>, vector<16xf32>,
      %parallel_loop3A_95 = arith.index_cast %parallel_loop3A_19 : i32 to index
      %parallel_loop3A_96 = arith.constant 400 : index
      %parallel_loop3A_97 = tpu.vector_load %arg5[%parallel_loop3A_95, %parallel_loop3A_96] {strides = array<i32>} : memref<32x1000xf32, #tpu.memory_space<vmem>>, vector<16xf32>,
      tpu.vector_store %arg5[%parallel_loop3A_95, %parallel_loop3A_96], %broadcast_in_dim3A_6 {strides = array<i32>} : memref<32x1000xf32, #tpu.memory_space<vmem>>, vector<16xf32>,
      %parallel_loop3A_98 = arith.index_cast %parallel_loop3A_19 : i32 to index
      %parallel_loop3A_99 = arith.constant 416 : index
      %parallel_loop3A_100 = tpu.vector_load %arg5[%parallel_loop3A_98, %parallel_loop3A_99] {strides = array<i32>} : memref<32x1000xf32, #tpu.memory_space<vmem>>, vector<16xf32>,
      tpu.vector_store %arg5[%parallel_loop3A_98, %parallel_loop3A_99], %broadcast_in_dim3A_6 {strides = array<i32>} : memref<32x1000xf32, #tpu.memory_space<vmem>>, vector<16xf32>,
      %parallel_loop3A_101 = arith.index_cast %parallel_loop3A_19 : i32 to index
      %parallel_loop3A_102 = arith.constant 432 : index
      %parallel_loop3A_103 = tpu.vector_load %arg5[%parallel_loop3A_101, %parallel_loop3A_102] {strides = array<i32>} : memref<32x1000xf32, #tpu.memory_space<vmem>>, vector<16xf32>,
      tpu.vector_store %arg5[%parallel_loop3A_101, %parallel_loop3A_102], %broadcast_in_dim3A_6 {strides = array<i32>} : memref<32x1000xf32, #tpu.memory_space<vmem>>, vector<16xf32>,
      %parallel_loop3A_104 = arith.index_cast %parallel_loop3A_19 : i32 to index
      %parallel_loop3A_105 = arith.constant 448 : index
      %parallel_loop3A_106 = tpu.vector_load %arg5[%parallel_loop3A_104, %parallel_loop3A_105] {strides = array<i32>} : memref<32x1000xf32, #tpu.memory_space<vmem>>, vector<16xf32>,
      tpu.vector_store %arg5[%parallel_loop3A_104, %parallel_loop3A_105], %broadcast_in_dim3A_6 {strides = array<i32>} : memref<32x1000xf32, #tpu.memory_space<vmem>>, vector<16xf32>,
      %parallel_loop3A_107 = arith.index_cast %parallel_loop3A_19 : i32 to index
      %parallel_loop3A_108 = arith.constant 464 : index
      %parallel_loop3A_109 = tpu.vector_load %arg5[%parallel_loop3A_107, %parallel_loop3A_108] {strides = array<i32>} : memref<32x1000xf32, #tpu.memory_space<vmem>>, vector<16xf32>,
      tpu.vector_store %arg5[%parallel_loop3A_107, %parallel_loop3A_108], %broadcast_in_dim3A_6 {strides = array<i32>} : memref<32x1000xf32, #tpu.memory_space<vmem>>, vector<16xf32>,
      %parallel_loop3A_110 = arith.index_cast %parallel_loop3A_19 : i32 to index
      %parallel_loop3A_111 = arith.constant 480 : index
      %parallel_loop3A_112 = tpu.vector_load %arg5[%parallel_loop3A_110, %parallel_loop3A_111] {strides = array<i32>} : memref<32x1000xf32, #tpu.memory_space<vmem>>, vector<16xf32>,
      tpu.vector_store %arg5[%parallel_loop3A_110, %parallel_loop3A_111], %broadcast_in_dim3A_6 {strides = array<i32>} : memref<32x1000xf32, #tpu.memory_space<vmem>>, vector<16xf32>,
      %parallel_loop3A_113 = arith.index_cast %parallel_loop3A_19 : i32 to index
      %parallel_loop3A_114 = arith.constant 496 : index
      %parallel_loop3A_115 = tpu.vector_load %arg5[%parallel_loop3A_113, %parallel_loop3A_114] {strides = array<i32>} : memref<32x1000xf32, #tpu.memory_space<vmem>>, vector<16xf32>,
      tpu.vector_store %arg5[%parallel_loop3A_113, %parallel_loop3A_114], %broadcast_in_dim3A_6 {strides = array<i32>} : memref<32x1000xf32, #tpu.memory_space<vmem>>, vector<16xf32>,
      %parallel_loop3A_116 = arith.index_cast %parallel_loop3A_19 : i32 to index
      %parallel_loop3A_117 = arith.constant 512 : index
      %parallel_loop3A_118 = tpu.vector_load %arg5[%parallel_loop3A_116, %parallel_loop3A_117] {strides = array<i32>} : memref<32x1000xf32, #tpu.memory_space<vmem>>, vector<16xf32>,
      tpu.vector_store %arg5[%parallel_loop3A_116, %parallel_loop3A_117], %broadcast_in_dim3A_6 {strides = array<i32>} : memref<32x1000xf32, #tpu.memory_space<vmem>>, vector<16xf32>,
      %parallel_loop3A_119 = arith.index_cast %parallel_loop3A_19 : i32 to index
      %parallel_loop3A_120 = arith.constant 528 : index
      %parallel_loop3A_121 = tpu.vector_load %arg5[%parallel_loop3A_119, %parallel_loop3A_120] {strides = array<i32>} : memref<32x1000xf32, #tpu.memory_space<vmem>>, vector<16xf32>,
      tpu.vector_store %arg5[%parallel_loop3A_119, %parallel_loop3A_120], %broadcast_in_dim3A_6 {strides = array<i32>} : memref<32x1000xf32, #tpu.memory_space<vmem>>, vector<16xf32>,
      %parallel_loop3A_122 = arith.index_cast %parallel_loop3A_19 : i32 to index
      %parallel_loop3A_123 = arith.constant 544 : index
      %parallel_loop3A_124 = tpu.vector_load %arg5[%parallel_loop3A_122, %parallel_loop3A_123] {strides = array<i32>} : memref<32x1000xf32, #tpu.memory_space<vmem>>, vector<16xf32>,
      tpu.vector_store %arg5[%parallel_loop3A_122, %parallel_loop3A_123], %broadcast_in_dim3A_6 {strides = array<i32>} : memref<32x1000xf32, #tpu.memory_space<vmem>>, vector<16xf32>,
      %parallel_loop3A_125 = arith.index_cast %parallel_loop3A_19 : i32 to index
      %parallel_loop3A_126 = arith.constant 560 : index
      %parallel_loop3A_127 = tpu.vector_load %arg5[%parallel_loop3A_125, %parallel_loop3A_126] {strides = array<i32>} : memref<32x1000xf32, #tpu.memory_space<vmem>>, vector<16xf32>,
      tpu.vector_store %arg5[%parallel_loop3A_125, %parallel_loop3A_126], %broadcast_in_dim3A_6 {strides = array<i32>} : memref<32x1000xf32, #tpu.memory_space<vmem>>, vector<16xf32>,
      %parallel_loop3A_128 = arith.index_cast %parallel_loop3A_19 : i32 to index
      %parallel_loop3A_129 = arith.constant 576 : index
      %parallel_loop3A_130 = tpu.vector_load %arg5[%parallel_loop3A_128, %parallel_loop3A_129] {strides = array<i32>} : memref<32x1000xf32, #tpu.memory_space<vmem>>, vector<16xf32>,
      tpu.vector_store %arg5[%parallel_loop3A_128, %parallel_loop3A_129], %broadcast_in_dim3A_6 {strides = array<i32>} : memref<32x1000xf32, #tpu.memory_space<vmem>>, vector<16xf32>,
      %parallel_loop3A_131 = arith.index_cast %parallel_loop3A_19 : i32 to index
      %parallel_loop3A_132 = arith.constant 592 : index
      %parallel_loop3A_133 = tpu.vector_load %arg5[%parallel_loop3A_131, %parallel_loop3A_132] {strides = array<i32>} : memref<32x1000xf32, #tpu.memory_space<vmem>>, vector<16xf32>,
      tpu.vector_store %arg5[%parallel_loop3A_131, %parallel_loop3A_132], %broadcast_in_dim3A_6 {strides = array<i32>} : memref<32x1000xf32, #tpu.memory_space<vmem>>, vector<16xf32>,
      %parallel_loop3A_134 = arith.index_cast %parallel_loop3A_19 : i32 to index
      %parallel_loop3A_135 = arith.constant 608 : index
      %parallel_loop3A_136 = tpu.vector_load %arg5[%parallel_loop3A_134, %parallel_loop3A_135] {strides = array<i32>} : memref<32x1000xf32, #tpu.memory_space<vmem>>, vector<16xf32>,
      tpu.vector_store %arg5[%parallel_loop3A_134, %parallel_loop3A_135], %broadcast_in_dim3A_6 {strides = array<i32>} : memref<32x1000xf32, #tpu.memory_space<vmem>>, vector<16xf32>,
      %parallel_loop3A_137 = arith.index_cast %parallel_loop3A_19 : i32 to index
      %parallel_loop3A_138 = arith.constant 624 : index
      %parallel_loop3A_139 = tpu.vector_load %arg5[%parallel_loop3A_137, %parallel_loop3A_138] {strides = array<i32>} : memref<32x1000xf32, #tpu.memory_space<vmem>>, vector<16xf32>,
      tpu.vector_store %arg5[%parallel_loop3A_137, %parallel_loop3A_138], %broadcast_in_dim3A_6 {strides = array<i32>} : memref<32x1000xf32, #tpu.memory_space<vmem>>, vector<16xf32>,
      %parallel_loop3A_140 = arith.index_cast %parallel_loop3A_19 : i32 to index
      %parallel_loop3A_141 = arith.constant 640 : index
      %parallel_loop3A_142 = tpu.vector_load %arg5[%parallel_loop3A_140, %parallel_loop3A_141] {strides = array<i32>} : memref<32x1000xf32, #tpu.memory_space<vmem>>, vector<16xf32>,
      tpu.vector_store %arg5[%parallel_loop3A_140, %parallel_loop3A_141], %broadcast_in_dim3A_6 {strides = array<i32>} : memref<32x1000xf32, #tpu.memory_space<vmem>>, vector<16xf32>,
      %parallel_loop3A_143 = arith.index_cast %parallel_loop3A_19 : i32 to index
      %parallel_loop3A_144 = arith.constant 656 : index
      %parallel_loop3A_145 = tpu.vector_load %arg5[%parallel_loop3A_143, %parallel_loop3A_144] {strides = array<i32>} : memref<32x1000xf32, #tpu.memory_space<vmem>>, vector<16xf32>,
      tpu.vector_store %arg5[%parallel_loop3A_143, %parallel_loop3A_144], %broadcast_in_dim3A_6 {strides = array<i32>} : memref<32x1000xf32, #tpu.memory_space<vmem>>, vector<16xf32>,
      %parallel_loop3A_146 = arith.index_cast %parallel_loop3A_19 : i32 to index
      %parallel_loop3A_147 = arith.constant 672 : index
      %parallel_loop3A_148 = tpu.vector_load %arg5[%parallel_loop3A_146, %parallel_loop3A_147] {strides = array<i32>} : memref<32x1000xf32, #tpu.memory_space<vmem>>, vector<16xf32>,
      tpu.vector_store %arg5[%parallel_loop3A_146, %parallel_loop3A_147], %broadcast_in_dim3A_6 {strides = array<i32>} : memref<32x1000xf32, #tpu.memory_space<vmem>>, vector<16xf32>,
      %parallel_loop3A_149 = arith.index_cast %parallel_loop3A_19 : i32 to index
      %parallel_loop3A_150 = arith.constant 688 : index
      %parallel_loop3A_151 = tpu.vector_load %arg5[%parallel_loop3A_149, %parallel_loop3A_150] {strides = array<i32>} : memref<32x1000xf32, #tpu.memory_space<vmem>>, vector<16xf32>,
      tpu.vector_store %arg5[%parallel_loop3A_149, %parallel_loop3A_150], %broadcast_in_dim3A_6 {strides = array<i32>} : memref<32x1000xf32, #tpu.memory_space<vmem>>, vector<16xf32>,
      %parallel_loop3A_152 = arith.index_cast %parallel_loop3A_19 : i32 to index
      %parallel_loop3A_153 = arith.constant 704 : index
      %parallel_loop3A_154 = tpu.vector_load %arg5[%parallel_loop3A_152, %parallel_loop3A_153] {strides = array<i32>} : memref<32x1000xf32, #tpu.memory_space<vmem>>, vector<16xf32>,
      tpu.vector_store %arg5[%parallel_loop3A_152, %parallel_loop3A_153], %broadcast_in_dim3A_6 {strides = array<i32>} : memref<32x1000xf32, #tpu.memory_space<vmem>>, vector<16xf32>,
      %parallel_loop3A_155 = arith.index_cast %parallel_loop3A_19 : i32 to index
      %parallel_loop3A_156 = arith.constant 720 : index
      %parallel_loop3A_157 = tpu.vector_load %arg5[%parallel_loop3A_155, %parallel_loop3A_156] {strides = array<i32>} : memref<32x1000xf32, #tpu.memory_space<vmem>>, vector<16xf32>,
      tpu.vector_store %arg5[%parallel_loop3A_155, %parallel_loop3A_156], %broadcast_in_dim3A_6 {strides = array<i32>} : memref<32x1000xf32, #tpu.memory_space<vmem>>, vector<16xf32>,
      %parallel_loop3A_158 = arith.index_cast %parallel_loop3A_19 : i32 to index
      %parallel_loop3A_159 = arith.constant 736 : index
      %parallel_loop3A_160 = tpu.vector_load %arg5[%parallel_loop3A_158, %parallel_loop3A_159] {strides = array<i32>} : memref<32x1000xf32, #tpu.memory_space<vmem>>, vector<16xf32>,
      tpu.vector_store %arg5[%parallel_loop3A_158, %parallel_loop3A_159], %broadcast_in_dim3A_6 {strides = array<i32>} : memref<32x1000xf32, #tpu.memory_space<vmem>>, vector<16xf32>,
      %parallel_loop3A_161 = arith.index_cast %parallel_loop3A_19 : i32 to index
      %parallel_loop3A_162 = arith.constant 752 : index
      %parallel_loop3A_163 = tpu.vector_load %arg5[%parallel_loop3A_161, %parallel_loop3A_162] {strides = array<i32>} : memref<32x1000xf32, #tpu.memory_space<vmem>>, vector<16xf32>,
      tpu.vector_store %arg5[%parallel_loop3A_161, %parallel_loop3A_162], %broadcast_in_dim3A_6 {strides = array<i32>} : memref<32x1000xf32, #tpu.memory_space<vmem>>, vector<16xf32>,
      %parallel_loop3A_164 = arith.index_cast %parallel_loop3A_19 : i32 to index
      %parallel_loop3A_165 = arith.constant 768 : index
      %parallel_loop3A_166 = tpu.vector_load %arg5[%parallel_loop3A_164, %parallel_loop3A_165] {strides = array<i32>} : memref<32x1000xf32, #tpu.memory_space<vmem>>, vector<16xf32>,
      tpu.vector_store %arg5[%parallel_loop3A_164, %parallel_loop3A_165], %broadcast_in_dim3A_6 {strides = array<i32>} : memref<32x1000xf32, #tpu.memory_space<vmem>>, vector<16xf32>,
      %parallel_loop3A_167 = arith.index_cast %parallel_loop3A_19 : i32 to index
      %parallel_loop3A_168 = arith.constant 784 : index
      %parallel_loop3A_169 = tpu.vector_load %arg5[%parallel_loop3A_167, %parallel_loop3A_168] {strides = array<i32>} : memref<32x1000xf32, #tpu.memory_space<vmem>>, vector<16xf32>,
      tpu.vector_store %arg5[%parallel_loop3A_167, %parallel_loop3A_168], %broadcast_in_dim3A_6 {strides = array<i32>} : memref<32x1000xf32, #tpu.memory_space<vmem>>, vector<16xf32>,
      %parallel_loop3A_170 = arith.index_cast %parallel_loop3A_19 : i32 to index
      %parallel_loop3A_171 = arith.constant 800 : index
      %parallel_loop3A_172 = tpu.vector_load %arg5[%parallel_loop3A_170, %parallel_loop3A_171] {strides = array<i32>} : memref<32x1000xf32, #tpu.memory_space<vmem>>, vector<16xf32>,
      tpu.vector_store %arg5[%parallel_loop3A_170, %parallel_loop3A_171], %broadcast_in_dim3A_6 {strides = array<i32>} : memref<32x1000xf32, #tpu.memory_space<vmem>>, vector<16xf32>,
      %parallel_loop3A_173 = arith.index_cast %parallel_loop3A_19 : i32 to index
      %parallel_loop3A_174 = arith.constant 816 : index
      %parallel_loop3A_175 = tpu.vector_load %arg5[%parallel_loop3A_173, %parallel_loop3A_174] {strides = array<i32>} : memref<32x1000xf32, #tpu.memory_space<vmem>>, vector<16xf32>,
      tpu.vector_store %arg5[%parallel_loop3A_173, %parallel_loop3A_174], %broadcast_in_dim3A_6 {strides = array<i32>} : memref<32x1000xf32, #tpu.memory_space<vmem>>, vector<16xf32>,
      %parallel_loop3A_176 = arith.index_cast %parallel_loop3A_19 : i32 to index
      %parallel_loop3A_177 = arith.constant 832 : index
      %parallel_loop3A_178 = tpu.vector_load %arg5[%parallel_loop3A_176, %parallel_loop3A_177] {strides = array<i32>} : memref<32x1000xf32, #tpu.memory_space<vmem>>, vector<16xf32>,
      tpu.vector_store %arg5[%parallel_loop3A_176, %parallel_loop3A_177], %broadcast_in_dim3A_6 {strides = array<i32>} : memref<32x1000xf32, #tpu.memory_space<vmem>>, vector<16xf32>,
      %parallel_loop3A_179 = arith.index_cast %parallel_loop3A_19 : i32 to index
      %parallel_loop3A_180 = arith.constant 848 : index
      %parallel_loop3A_181 = tpu.vector_load %arg5[%parallel_loop3A_179, %parallel_loop3A_180] {strides = array<i32>} : memref<32x1000xf32, #tpu.memory_space<vmem>>, vector<16xf32>,
      tpu.vector_store %arg5[%parallel_loop3A_179, %parallel_loop3A_180], %broadcast_in_dim3A_6 {strides = array<i32>} : memref<32x1000xf32, #tpu.memory_space<vmem>>, vector<16xf32>,
      %parallel_loop3A_182 = arith.index_cast %parallel_loop3A_19 : i32 to index
      %parallel_loop3A_183 = arith.constant 864 : index
      %parallel_loop3A_184 = tpu.vector_load %arg5[%parallel_loop3A_182, %parallel_loop3A_183] {strides = array<i32>} : memref<32x1000xf32, #tpu.memory_space<vmem>>, vector<16xf32>,
      tpu.vector_store %arg5[%parallel_loop3A_182, %parallel_loop3A_183], %broadcast_in_dim3A_6 {strides = array<i32>} : memref<32x1000xf32, #tpu.memory_space<vmem>>, vector<16xf32>,
      %parallel_loop3A_185 = arith.index_cast %parallel_loop3A_19 : i32 to index
      %parallel_loop3A_186 = arith.constant 880 : index
      %parallel_loop3A_187 = tpu.vector_load %arg5[%parallel_loop3A_185, %parallel_loop3A_186] {strides = array<i32>} : memref<32x1000xf32, #tpu.memory_space<vmem>>, vector<16xf32>,
      tpu.vector_store %arg5[%parallel_loop3A_185, %parallel_loop3A_186], %broadcast_in_dim3A_6 {strides = array<i32>} : memref<32x1000xf32, #tpu.memory_space<vmem>>, vector<16xf32>,
      %parallel_loop3A_188 = arith.index_cast %parallel_loop3A_19 : i32 to index
      %parallel_loop3A_189 = arith.constant 896 : index
      %parallel_loop3A_190 = tpu.vector_load %arg5[%parallel_loop3A_188, %parallel_loop3A_189] {strides = array<i32>} : memref<32x1000xf32, #tpu.memory_space<vmem>>, vector<16xf32>,
      tpu.vector_store %arg5[%parallel_loop3A_188, %parallel_loop3A_189], %broadcast_in_dim3A_6 {strides = array<i32>} : memref<32x1000xf32, #tpu.memory_space<vmem>>, vector<16xf32>,
      %parallel_loop3A_191 = arith.index_cast %parallel_loop3A_19 : i32 to index
      %parallel_loop3A_192 = arith.constant 912 : index
      %parallel_loop3A_193 = tpu.vector_load %arg5[%parallel_loop3A_191, %parallel_loop3A_192] {strides = array<i32>} : memref<32x1000xf32, #tpu.memory_space<vmem>>, vector<16xf32>,
      tpu.vector_store %arg5[%parallel_loop3A_191, %parallel_loop3A_192], %broadcast_in_dim3A_6 {strides = array<i32>} : memref<32x1000xf32, #tpu.memory_space<vmem>>, vector<16xf32>,
      %parallel_loop3A_194 = arith.index_cast %parallel_loop3A_19 : i32 to index
      %parallel_loop3A_195 = arith.constant 928 : index
      %parallel_loop3A_196 = tpu.vector_load %arg5[%parallel_loop3A_194, %parallel_loop3A_195] {strides = array<i32>} : memref<32x1000xf32, #tpu.memory_space<vmem>>, vector<16xf32>,
      tpu.vector_store %arg5[%parallel_loop3A_194, %parallel_loop3A_195], %broadcast_in_dim3A_6 {strides = array<i32>} : memref<32x1000xf32, #tpu.memory_space<vmem>>, vector<16xf32>,
      %parallel_loop3A_197 = arith.index_cast %parallel_loop3A_19 : i32 to index
      %parallel_loop3A_198 = arith.constant 944 : index
      %parallel_loop3A_199 = tpu.vector_load %arg5[%parallel_loop3A_197, %parallel_loop3A_198] {strides = array<i32>} : memref<32x1000xf32, #tpu.memory_space<vmem>>, vector<16xf32>,
      tpu.vector_store %arg5[%parallel_loop3A_197, %parallel_loop3A_198], %broadcast_in_dim3A_6 {strides = array<i32>} : memref<32x1000xf32, #tpu.memory_space<vmem>>, vector<16xf32>,
      %parallel_loop3A_200 = arith.index_cast %parallel_loop3A_19 : i32 to index
      %parallel_loop3A_201 = arith.constant 960 : index
      %parallel_loop3A_202 = tpu.vector_load %arg5[%parallel_loop3A_200, %parallel_loop3A_201] {strides = array<i32>} : memref<32x1000xf32, #tpu.memory_space<vmem>>, vector<16xf32>,
      tpu.vector_store %arg5[%parallel_loop3A_200, %parallel_loop3A_201], %broadcast_in_dim3A_6 {strides = array<i32>} : memref<32x1000xf32, #tpu.memory_space<vmem>>, vector<16xf32>,
      %parallel_loop3A_203 = arith.index_cast %parallel_loop3A_19 : i32 to index
      %parallel_loop3A_204 = arith.constant 976 : index
      %parallel_loop3A_205 = tpu.vector_load %arg5[%parallel_loop3A_203, %parallel_loop3A_204] {strides = array<i32>} : memref<32x1000xf32, #tpu.memory_space<vmem>>, vector<16xf32>,
      tpu.vector_store %arg5[%parallel_loop3A_203, %parallel_loop3A_204], %broadcast_in_dim3A_6 {strides = array<i32>} : memref<32x1000xf32, #tpu.memory_space<vmem>>, vector<16xf32>,
      %parallel_loop3A_206 = arith.index_cast %parallel_loop3A_19 : i32 to index
      %parallel_loop3A_207 = arith.constant 984 : index
      %parallel_loop3A_208 = tpu.vector_load %arg5[%parallel_loop3A_206, %parallel_loop3A_207] {strides = array<i32>} : memref<32x1000xf32, #tpu.memory_space<vmem>>, vector<16xf32>,
      tpu.vector_store %arg5[%parallel_loop3A_206, %parallel_loop3A_207], %broadcast_in_dim3A_6 {strides = array<i32>} : memref<32x1000xf32, #tpu.memory_space<vmem>>, vector<16xf32>,
    } {sc.loop_unroll_factor = 1 : i64, sc.parallel_access}
    %dma_wait3A = arith.constant 0 : i32
    %dma_wait3A_9 = tpu.memref_slice %arg2[%mul3A_2, %dma_wait3A] : memref<1024x200xi32, #tpu.memory_space<hbm>> -> memref<32x200xi32, #tpu.memory_space<hbm>>
    %dma_wait3A_10 = arith.constant 0 : i32
    %dma_wait3A_11 = tpu.memref_slice %arg2[%mul3A_2, %dma_wait3A_10] : memref<1024x200xi32, #tpu.memory_space<hbm>> -> memref<32x200xi32, #tpu.memory_space<hbm>>
    tpu.wait_dma2 semaphore(%arg6 : memref<!tpu.dma_semaphore, #tpu.memory_space<semaphore_mem>>) src(%dma_wait3A_11 : memref<32x200xi32, #tpu.memory_space<hbm>>) dst(%arg4 : memref<32x200xi32, #tpu.memory_space<vmem>>)
    %iota3A = tpu.iota {dimensions = array<i32: 0>} : vector<16xi32>
    %ge3A = arith.constant 8 : i32
    %ge3A_12 = vector.broadcast %ge3A : i32 to vector<16xi32>
    %ge3A_13 = arith.cmpi sge, %iota3A, %ge3A_12 : vector<16xi32>
    %broadcast_in_dim3A_14 = arith.constant 5.000000e-03 : f32
    %broadcast_in_dim3A_15 = vector.broadcast %broadcast_in_dim3A_14 : f32 to vector<16xf32>
    %parallel_loop3A_16 = arith.constant 0 : i32
    %parallel_loop3A_17 = arith.constant 32 : i32
    %parallel_loop3A_18 = arith.constant 1 : i32
    scf.for %parallel_loop3A_19 = %parallel_loop3A_16 to %parallel_loop3A_17 step %parallel_loop3A_18  : i32 {
      %parallel_loop3A_20 = vector.broadcast %parallel_loop3A_19 : i32 to vector<16xi32>
      %parallel_loop3A_21 = arith.index_cast %parallel_loop3A_19 : i32 to index
      %parallel_loop3A_22 = arith.constant 0 : index
      %parallel_loop3A_23 = tpu.vector_load %arg4[%parallel_loop3A_21, %parallel_loop3A_22] {strides = array<i32>} : memref<32x200xi32, #tpu.memory_space<vmem>>, vector<16xi32>,
      tpu.vector_store_idx %arg5[%parallel_loop3A_20, %parallel_loop3A_23], %broadcast_in_dim3A_15 {add = true} : memref<32x1000xf32, #tpu.memory_space<vmem>>[vector<16xi32>, vector<16xi32>], vector<16xf32>,
      %parallel_loop3A_24 = arith.index_cast %parallel_loop3A_19 : i32 to index
      %parallel_loop3A_25 = arith.constant 16 : index
      %parallel_loop3A_26 = tpu.vector_load %arg4[%parallel_loop3A_24, %parallel_loop3A_25] {strides = array<i32>} : memref<32x200xi32, #tpu.memory_space<vmem>>, vector<16xi32>,
      tpu.vector_store_idx %arg5[%parallel_loop3A_20, %parallel_loop3A_26], %broadcast_in_dim3A_15 {add = true} : memref<32x1000xf32, #tpu.memory_space<vmem>>[vector<16xi32>, vector<16xi32>], vector<16xf32>,
      %parallel_loop3A_27 = arith.index_cast %parallel_loop3A_19 : i32 to index
      %parallel_loop3A_28 = arith.constant 32 : index
      %parallel_loop3A_29 = tpu.vector_load %arg4[%parallel_loop3A_27, %parallel_loop3A_28] {strides = array<i32>} : memref<32x200xi32, #tpu.memory_space<vmem>>, vector<16xi32>,
      tpu.vector_store_idx %arg5[%parallel_loop3A_20, %parallel_loop3A_29], %broadcast_in_dim3A_15 {add = true} : memref<32x1000xf32, #tpu.memory_space<vmem>>[vector<16xi32>, vector<16xi32>], vector<16xf32>,
      %parallel_loop3A_30 = arith.index_cast %parallel_loop3A_19 : i32 to index
      %parallel_loop3A_31 = arith.constant 48 : index
      %parallel_loop3A_32 = tpu.vector_load %arg4[%parallel_loop3A_30, %parallel_loop3A_31] {strides = array<i32>} : memref<32x200xi32, #tpu.memory_space<vmem>>, vector<16xi32>,
      tpu.vector_store_idx %arg5[%parallel_loop3A_20, %parallel_loop3A_32], %broadcast_in_dim3A_15 {add = true} : memref<32x1000xf32, #tpu.memory_space<vmem>>[vector<16xi32>, vector<16xi32>], vector<16xf32>,
      %parallel_loop3A_33 = arith.index_cast %parallel_loop3A_19 : i32 to index
      %parallel_loop3A_34 = arith.constant 64 : index
      %parallel_loop3A_35 = tpu.vector_load %arg4[%parallel_loop3A_33, %parallel_loop3A_34] {strides = array<i32>} : memref<32x200xi32, #tpu.memory_space<vmem>>, vector<16xi32>,
      tpu.vector_store_idx %arg5[%parallel_loop3A_20, %parallel_loop3A_35], %broadcast_in_dim3A_15 {add = true} : memref<32x1000xf32, #tpu.memory_space<vmem>>[vector<16xi32>, vector<16xi32>], vector<16xf32>,
      %parallel_loop3A_36 = arith.index_cast %parallel_loop3A_19 : i32 to index
      %parallel_loop3A_37 = arith.constant 80 : index
      %parallel_loop3A_38 = tpu.vector_load %arg4[%parallel_loop3A_36, %parallel_loop3A_37] {strides = array<i32>} : memref<32x200xi32, #tpu.memory_space<vmem>>, vector<16xi32>,
      tpu.vector_store_idx %arg5[%parallel_loop3A_20, %parallel_loop3A_38], %broadcast_in_dim3A_15 {add = true} : memref<32x1000xf32, #tpu.memory_space<vmem>>[vector<16xi32>, vector<16xi32>], vector<16xf32>,
      %parallel_loop3A_39 = arith.index_cast %parallel_loop3A_19 : i32 to index
      %parallel_loop3A_40 = arith.constant 96 : index
      %parallel_loop3A_41 = tpu.vector_load %arg4[%parallel_loop3A_39, %parallel_loop3A_40] {strides = array<i32>} : memref<32x200xi32, #tpu.memory_space<vmem>>, vector<16xi32>,
      tpu.vector_store_idx %arg5[%parallel_loop3A_20, %parallel_loop3A_41], %broadcast_in_dim3A_15 {add = true} : memref<32x1000xf32, #tpu.memory_space<vmem>>[vector<16xi32>, vector<16xi32>], vector<16xf32>,
      %parallel_loop3A_42 = arith.index_cast %parallel_loop3A_19 : i32 to index
      %parallel_loop3A_43 = arith.constant 112 : index
      %parallel_loop3A_44 = tpu.vector_load %arg4[%parallel_loop3A_42, %parallel_loop3A_43] {strides = array<i32>} : memref<32x200xi32, #tpu.memory_space<vmem>>, vector<16xi32>,
      tpu.vector_store_idx %arg5[%parallel_loop3A_20, %parallel_loop3A_44], %broadcast_in_dim3A_15 {add = true} : memref<32x1000xf32, #tpu.memory_space<vmem>>[vector<16xi32>, vector<16xi32>], vector<16xf32>,
      %parallel_loop3A_45 = arith.index_cast %parallel_loop3A_19 : i32 to index
      %parallel_loop3A_46 = arith.constant 128 : index
      %parallel_loop3A_47 = tpu.vector_load %arg4[%parallel_loop3A_45, %parallel_loop3A_46] {strides = array<i32>} : memref<32x200xi32, #tpu.memory_space<vmem>>, vector<16xi32>,
      tpu.vector_store_idx %arg5[%parallel_loop3A_20, %parallel_loop3A_47], %broadcast_in_dim3A_15 {add = true} : memref<32x1000xf32, #tpu.memory_space<vmem>>[vector<16xi32>, vector<16xi32>], vector<16xf32>,
      %parallel_loop3A_48 = arith.index_cast %parallel_loop3A_19 : i32 to index
      %parallel_loop3A_49 = arith.constant 144 : index
      %parallel_loop3A_50 = tpu.vector_load %arg4[%parallel_loop3A_48, %parallel_loop3A_49] {strides = array<i32>} : memref<32x200xi32, #tpu.memory_space<vmem>>, vector<16xi32>,
      tpu.vector_store_idx %arg5[%parallel_loop3A_20, %parallel_loop3A_50], %broadcast_in_dim3A_15 {add = true} : memref<32x1000xf32, #tpu.memory_space<vmem>>[vector<16xi32>, vector<16xi32>], vector<16xf32>,
      %parallel_loop3A_51 = arith.index_cast %parallel_loop3A_19 : i32 to index
      %parallel_loop3A_52 = arith.constant 160 : index
      %parallel_loop3A_53 = tpu.vector_load %arg4[%parallel_loop3A_51, %parallel_loop3A_52] {strides = array<i32>} : memref<32x200xi32, #tpu.memory_space<vmem>>, vector<16xi32>,
      tpu.vector_store_idx %arg5[%parallel_loop3A_20, %parallel_loop3A_53], %broadcast_in_dim3A_15 {add = true} : memref<32x1000xf32, #tpu.memory_space<vmem>>[vector<16xi32>, vector<16xi32>], vector<16xf32>,
      %parallel_loop3A_54 = arith.index_cast %parallel_loop3A_19 : i32 to index
      %parallel_loop3A_55 = arith.constant 176 : index
      %parallel_loop3A_56 = tpu.vector_load %arg4[%parallel_loop3A_54, %parallel_loop3A_55] {strides = array<i32>} : memref<32x200xi32, #tpu.memory_space<vmem>>, vector<16xi32>,
      tpu.vector_store_idx %arg5[%parallel_loop3A_20, %parallel_loop3A_56], %broadcast_in_dim3A_15 {add = true} : memref<32x1000xf32, #tpu.memory_space<vmem>>[vector<16xi32>, vector<16xi32>], vector<16xf32>,
      %parallel_loop3A_57 = arith.index_cast %parallel_loop3A_19 : i32 to index
      %parallel_loop3A_58 = arith.constant 184 : index
      %parallel_loop3A_59 = tpu.vector_load %arg4[%parallel_loop3A_57, %parallel_loop3A_58] {strides = array<i32>} : memref<32x200xi32, #tpu.memory_space<vmem>>, vector<16xi32>,
      tpu.vector_store_idx %arg5[%parallel_loop3A_20, %parallel_loop3A_59], %broadcast_in_dim3A_15 masked %ge3A_13 {add = true} : memref<32x1000xf32, #tpu.memory_space<vmem>>[vector<16xi32>, vector<16xi32>], vector<16xf32>, vector<16xi1>
    } {sc.loop_unroll_factor = 1 : i64, sc.parallel_access}
    "tpu.region"() ({
      %run_scoped3A = tpu.sem_alloc : memref<!tpu.dma_semaphore, #tpu.memory_space<semaphore_mem>>
      %dma_start3A_19 = arith.constant 0 : i32
      %dma_start3A_20 = tpu.memref_slice %arg3[%mul3A_2, %dma_start3A_19] : memref<1024x1000xf32, #tpu.memory_space<hbm>> -> memref<32x1000xf32, #tpu.memory_space<hbm>>
      %dma_start3A_21 = arith.constant 0 : i32
      %dma_start3A_22 = tpu.memref_slice %arg3[%mul3A_2, %dma_start3A_21] : memref<1024x1000xf32, #tpu.memory_space<hbm>> -> memref<32x1000xf32, #tpu.memory_space<hbm>>
      tpu.enqueue_dma source(%arg5 : memref<32x1000xf32, #tpu.memory_space<vmem>>) target(%dma_start3A_22 : memref<32x1000xf32, #tpu.memory_space<hbm>>) target_semaphore(%run_scoped3A : memref<!tpu.dma_semaphore, #tpu.memory_space<semaphore_mem>>)
      %dma_wait3A_23 = arith.constant 0 : i32
      %dma_wait3A_24 = tpu.memref_slice %arg3[%mul3A_2, %dma_wait3A_23] : memref<1024x1000xf32, #tpu.memory_space<hbm>> -> memref<32x1000xf32, #tpu.memory_space<hbm>>
      %dma_wait3A_25 = arith.constant 0 : i32
      %dma_wait3A_26 = tpu.memref_slice %arg3[%mul3A_2, %dma_wait3A_25] : memref<1024x1000xf32, #tpu.memory_space<hbm>> -> memref<32x1000xf32, #tpu.memory_space<hbm>>
      tpu.wait_dma2 semaphore(%run_scoped3A : memref<!tpu.dma_semaphore, #tpu.memory_space<semaphore_mem>>) src(%arg5 : memref<32x1000xf32, #tpu.memory_space<vmem>>) dst(%dma_wait3A_26 : memref<32x1000xf32, #tpu.memory_space<hbm>>)
      tpu.yield
    }) : () -> ()
    return
  }
}

</mosaic_0001>

<sc_bundles>
// kernel: kernel.3.cloned.1.call-start
scs
__scs_entry_jumppad:
0x0: {  	(pc) =	sbr.rel $0x88, $3  }
0x1: {  	(tag) =	ssettag $0x0;
	lr =	simm.s32 $0x1  }
0x2: {  	[smem:$0x3FA0] =	sst lr;
	_ =	strace $0xD0000000  }
0x3: {  	_ = 	snop  }
0x4: {  	_ = 	snop  }
0x5: {  	_ = 	snop  }
0x6: {  	_ = 	snop  }
0x7: {  	_ = 	snop  }
__scs_overlays_trampoline_lowered:
0x8: {  	[smem:$0x3FAF] =	sst s0  }
0x9: {  	[smem:$0x3FB0] =	sst s1  }
0xa: {  	[smem:$0x3FB1] =	sst s2  }
0xb: {  	[smem:$0x3FB2] =	sst s3  }
0xc: {  	[smem:$0x3FB3] =	sst s4  }
0xd: {  	[smem:$0x3FB4] =	sst s5  }
0xe: {  	[smem:$0x3FB5] =	sst s6  }
0xf: {  	[smem:$0x3FB6] =	sst s7  }
0x10: {  	[smem:$0x3FB7] =	sst s8  }
0x11: {  	[smem:$0x3FB8] =	sst s9;
	s0 =	simm.s32 @!p0 $0x0  }
0x12: {  	s1 =	sld [smem:$0x3F9E];
	s0 =	simm.s32 @p0 $0x1  }
0x13: {  	[smem:$0x3FB9] =	sst s0;
	s0 =	simm.s32 @!p1 $0x0  }
0x14: {  	s2 =	sld [smem:$0x3F9D];
	s0 =	simm.s32 @p1 $0x1  }
0x15: {  	[smem:$0x3FBA] =	sst s0;
	s0 =	simm.s32 @!p2 $0x0  }
0x16: {  	s3 =	sld [smem:$0x3FDB];
	s0 =	simm.s32 @p2 $0x1  }
0x17: {  	s4 =	simm.s32 $0x1BF5;
	[smem:$0x3FBC] =	sst s0  }
0x18: {  	s0 =	sld [smem:$0x3F9F];
	_ =	swait.ge [sflag:s4], $0x0  }
0x19: {  	s7 =	sld [smem:$0x3FA0]  }
0x1a: {  	s8 =	sadd.s32 $0xFFFFE003, lr  }
0x1b: {  	s9 =	sadd.s32 $0xFFFFFEF7, lr;
	s5 =	simm.s32 $0xFFFFFFFF;
	p2 =	slt.u32 s8, $0xFFFFF086  }
0x1c: {  	p1 =	slt.u32 s9, $0xF7A;
	s5 =	simm.s32 @!p2 $0x0  }
0x1d: {  	s5 =	simm.s32 @p1 $0x1;
	p0 =	seq.s32 s7, s2  }
0x1e: {  	s7 =	smul.u32 @!p0 $0xF7A, s2;
	p2 =	seq.s32 @!p0 s5, $0x0  }
0x1f: {  	s9 =	smul.u32 $0xF7A, s1;
	s8 =	simm.s32 @!p0 $0x1BF5;
	p2 =	por !p2, p0  }
0x20: {  	[sflag:s8] =	ssyncset.s32 @!p0 $0xFFFFF086;
	s6 =	sadd.s32 @!p0 s3, s7;
	s7 =	simm.s32 @!p0 $0x108  }
0x21: {  	s3 =	sadd.s32 s3, s9;
	s6 =	sadd.s32 @!p0 $0x88, s6;
	s7 =	simm.s32 @p2 $0x1082  }
0x22: {  	[simem:s7], [sflag:s8] =	dma.local @!p0 [hbm:s6], $0xF7A  }
0x23: {  	s9 =	sor.u32 $0xD0000000, s2;
	s6 =	simm.s32 $0x108;
	_ =	swait.ge @!p0 [sflag:s8], $0x0  }
0x24: {  	s3 =	sadd.s32 $0x88, s3;
	s6 =	simm.s32 @!p1 $0x1082;
	[sflag:s4] =	ssyncset.s32 $0xFFFFF086  }
0x25: {  	[simem:s6], [sflag:s4] =	dma.local [hbm:s3], $0xF7A  }
0x26: {  	[smem:$0x3FA0] =	sst s1;
	(tag) =	ssettag s2;
	_ =	strace s9  }
0x27: {  	s1 =	sld [smem:$0x3FB0]  }
0x28: {  	s2 =	sld [smem:$0x3FB1]  }
0x29: {  	s4 =	sld [smem:$0x3FB3]  }
0x2a: {  	p0 =	seq.s32 s5, $0x0;
	s5 =	sld [smem:$0x3FB4]  }
0x2b: {  	s6 =	sld [smem:$0x3FB5]  }
0x2c: {  	s7 =	sld [smem:$0x3FB6]  }
0x2d: {  	s3 =	simm.s32 $0x108;
	s8 =	sld [smem:$0x3FB7]  }
0x2e: {  	s3 =	simm.s32 @!p0 $0x1082;
	s9 =	sld [smem:$0x3FB8]  }
0x2f: {  	lr =	sadd.s32 s0, s3;
	s0 =	sld [smem:$0x3FAF]  }
0x30: {  	s3 =	sld [smem:$0x3FB2]  }
0x31: {  	[smem:$0x3FBB] =	sst s10  }
0x32: {  	s10 =	sld [smem:$0x3FB9];
	_ =	sdelay $0x3  }
0x33: {  	p0 =	seq.s32 s10, $0x1;
	s10 =	sld [smem:$0x3FBB];
	_ =	sdelay $0x3  }
0x34: {  	[smem:$0x3FBB] =	sst s10  }
0x35: {  	s10 =	sld [smem:$0x3FBA];
	_ =	sdelay $0x3  }
0x36: {  	p1 =	seq.s32 s10, $0x1;
	s10 =	sld [smem:$0x3FBB];
	_ =	sdelay $0x3  }
0x37: {  	[smem:$0x3FBB] =	sst s10  }
0x38: {  	s10 =	sld [smem:$0x3FBC]  }
0x39: {  	_ = 	snop;
	(pc) =	sbr.ind lr, $3  }
0x3a: {  	_ = 	snop  }
0x3b: {  	_ = 	snop  }
0x3c: {  	p2 =	seq.s32 s10, $0x1;
	s10 =	sld [smem:$0x3FBB]  }
0x3d: {  	_ =	shalt  }
0x3e: {  	_ =	shalt  }
0x3f: {  	_ =	shalt  }
0x40: {  	_ =	shalt  }
0x41: {  	_ =	shalt  }
0x42: {  	_ =	shalt  }
0x43: {  	_ =	shalt  }
0x44: {  	_ =	shalt  }
0x45: {  	_ =	shalt  }
0x46: {  	_ =	shalt  }
0x47: {  	_ =	shalt  }
0x48: {  	_ =	shalt  }
0x49: {  	_ =	shalt  }
0x4a: {  	_ =	shalt  }
0x4b: {  	_ =	shalt  }
0x4c: {  	_ =	shalt  }
0x4d: {  	_ =	shalt  }
0x4e: {  	_ =	shalt  }
0x4f: {  	_ =	shalt  }
0x50: {  	_ =	shalt  }
0x51: {  	_ =	shalt  }
0x52: {  	_ =	shalt  }
0x53: {  	_ =	shalt  }
0x54: {  	_ =	shalt  }
0x55: {  	_ =	shalt  }
0x56: {  	_ =	shalt  }
0x57: {  	_ =	shalt  }
0x58: {  	_ =	shalt  }
0x59: {  	_ =	shalt  }
0x5a: {  	_ =	shalt  }
0x5b: {  	_ =	shalt  }
0x5c: {  	_ =	shalt  }
0x5d: {  	_ =	shalt  }
0x5e: {  	_ =	shalt  }
0x5f: {  	_ =	shalt  }
0x60: {  	_ =	shalt  }
0x61: {  	_ =	shalt  }
0x62: {  	_ =	shalt  }
0x63: {  	_ =	shalt  }
0x64: {  	_ =	shalt  }
0x65: {  	_ =	shalt  }
0x66: {  	_ =	shalt  }
0x67: {  	_ =	shalt  }
0x68: {  	_ =	shalt  }
0x69: {  	_ =	shalt  }
0x6a: {  	_ =	shalt  }
0x6b: {  	_ =	shalt  }
0x6c: {  	_ =	shalt  }
0x6d: {  	_ =	shalt  }
0x6e: {  	_ =	shalt  }
0x6f: {  	_ =	shalt  }
0x70: {  	_ =	shalt  }
0x71: {  	_ =	shalt  }
0x72: {  	_ =	shalt  }
0x73: {  	_ =	shalt  }
0x74: {  	_ =	shalt  }
0x75: {  	_ =	shalt  }
0x76: {  	_ =	shalt  }
0x77: {  	_ =	shalt  }
0x78: {  	_ =	shalt  }
0x79: {  	_ =	shalt  }
0x7a: {  	_ =	shalt  }
0x7b: {  	_ =	shalt  }
0x7c: {  	_ =	shalt  }
0x7d: {  	_ =	shalt  }
0x7e: {  	_ =	shalt  }
0x7f: {  	_ =	shalt  }
0x80: {  	_ =	shalt  }
0x81: {  	_ =	shalt  }
0x82: {  	_ =	shalt  }
0x83: {  	_ =	shalt  }
0x84: {  	_ =	shalt  }
0x85: {  	_ =	shalt  }
0x86: {  	_ =	shalt  }
0x87: {  	_ =	shalt  }
.Lfunc_end0:
.L_simem_size_0:
called_computation_lowered:
.L_overlay_start_0:
0x88: {  	s2 =	sld [smem:$0x3FD9]  }
0x89: {  	s3 =	sld [smem:$0x3FFE];
	_ =	sdelay $0x1  }
0x8a: {  	s1 =	srdreg.scid  }
0x8b: {  	s0 =	sand.u32 $0x1, s1  }
0x8c: {  	s17 =	sshll.u32 s0, $0xA;
	s2 =	sadd.s32 s3, s2  }
0x8d: {  	s2 =	sadd.s32 s2, s17  }
0x8e: {  	[smem:$0x3FC7] =	sst s2  }
0x8f: {  	_ = 	snop  }
0x90: {  	s2 =	sld [smem:$0x3FD0];
	(tm) =	ssettm $0x1  }
0x91: {  	s18 =	sld [smem:$0x3FFB];
	_ =	sdelay $0x3  }
0x92: {  	_ =	strace s18  }
0x93: {  	s3 =	sld [smem:$0x3FFC];
	_ =	sdelay $0x3  }
0x94: {  	_ =	strace s3  }
0x95: {  	s3 =	sld [smem:$0x3FFD];
	_ =	sdelay $0x3  }
0x96: {  	_ =	strace s3  }
0x97: {  	_ =	strace $0x8FFFFFFF  }
0x98: {  	s19 =	sld [smem:$0x3FDB];
	_ =	sdelay $0x1  }
0x99: {  	s4 =	simm.s32 $_scs_section_size  }
0x9a: {  	s5 =	simm.s32 $_size__tile_overlayer_lowered;
	s6 =	simm.s32 $_tile_overlayer_lowered  }
0x9b: {  	s22 =	simm.s32 $0x1BFF;
	s21 =	sshll.u32 s6, $0x1;
	s3 =	sadd.s32 s4, s19  }
0x9c: {  	s7 =	simm.s32 $0x0;
	s20 =	sshll.u32 s5, $0x1;
	s5 =	sadd.s32 s21, s3  }
0x9d: {  	[timem:s7], [sflag:s22] =	dma.local [hbm:s5], s20  }
0x9e: {  	_ =	swait.ge [sflag:s22], s20  }
0x9f: {  	s4 =	ssub.s32 $0x0, s20;
	[sflag:s22] =	ssyncset.done $0x0  }
0xa0: {  	[sflag:s22] =	ssyncadd.s32 s4;
	_ =	sdelay $0x1  }
0xa1: {  	s23 =	simm.s32 $0x1B8B  }
0xa2: {  	_ =	swait.ge [sflag:s23], $0x1  }
0xa3: {  	[sflag:s23] =	ssyncset.done $0x0  }
0xa4: {  	s25 =	simm.s32 $0x1B8E;
	s24 =	sld [smem:$0x3FFE];
	[sflag:s23] =	ssyncadd.s32 $0xFFFFFFFF  }
0xa5: {  	s26 =	simm.s32 $execute0_lowered;
	[smem:$0x3FD2] =	sst s25  }
0xa6: {  	s5 =	sshll.u32 s26, $0x1;
	_ =	strace $0x80000046;
	[dreg:$0x1] =	wrdreg $0xFFFFFFFF  }
0xa7: {  	s28 =	simm.s32 $_size_execute0_lowered;
	s3 =	sadd.s32 s3, s5;
	[dreg:$0x0] =	wrdreg $0x0  }
0xa8: {  	s5 =	sshll.u32 s28, $0x1;
	[dreg:$0x2] =	wrdreg s3  }
0xa9: {  	[dreg:$0x3] =	wrdreg s5  }
0xaa: {  	[dreg:$0x4] =	wrdreg $0xC0  }
0xab: {  	_ =	task [dreg:s7], $0x5FFFF  }
0xac: {  	[dreg:$0x1] =	wrdreg $0xFFFFFFFF  }
0xad: {  	[dreg:$0x0] =	wrdreg $0x60  }
0xae: {  	[dreg:$0x2] =	wrdreg s2  }
0xaf: {  	[dreg:$0x3] =	wrdreg s24  }
0xb0: {  	[dreg:$0x4] =	wrdreg $0x9  }
0xb1: {  	_ =	task.clear_ibuf [dreg:s7], $0x5FFFF;
	_ =	strace $0x90000046  }
0xb2: {  	s29 =	simm.s32 $0x9;
	_ =	strace $0x80000048  }
0xb3: {  	_ =	swait.ge [sflag:s29], $0x1  }
0xb4: {  	[sflag:s29] =	ssyncadd.s32 $0xFFFFFFFF  }
0xb5: {  	_ =	strace $0x90000048  }
0xb6: {  	_ =	sfence  }
0xb7: {  	s30 =	sld [smem:$0x0];
	_ =	sdelay $0x2  }
0xb8: {  	s31 =	sshll.u32 s1, $0xD;
	s1 =	sshrl.u32 s1, $0x2  }
0xb9: {  	s3 =	sand.u32 $0x4000, s31;
	s1 =	sadd.s32 s1, s30  }
0xba: {  	s0 =	sor.u32 s3, s0;
	s1 =	sshll.u32 s1, $0x11  }
0xbb: {  	s0 =	sor.u32 s1, s0  }
0xbc: {  	s0 =	sadd.s32 $0x8F2B, s0  }
0xbd: {  	[sflag:s0] =	ssyncadd.remote.s32 $0x1  }
0xbe: {  	_ =	sfence.sel $0xFFFF  }
0xbf: {  	[dreg:$0x0] =	wrdreg $0xFFFFFFFF;
	(pc) =	sbr.abs _section_cstart, $3  }
0xc0: {  	[dreg:$0x1] =	wrdreg $0xFFFFFFFF  }
0xc1: {  	_ =	task.clear_ibuf [dreg:s7], $0x2FFFF;
	_ =	strace $0x9FFFFFFF  }
0xc2: {  	(tm) =	ssettm $0x7FFFFFFF  }
0xc3: {  	_ =	shalt  }
tec
execute0_lowered:
.L_overlay_start_1:
0x0: {  	(tag) =	ssettag $0x1  }
0x1: {  	s3 =	rddreg [dreg:$0x0]  }
0x2: {  	s4 =	rddreg [dreg:$0x1]  }
0x3: {  	s0 =	rddreg [dreg:$0x2];
	s5 =	srdreg.scid  }
0x4: {  	s2 =	simm.s32 $0x0;
	s1 =	stileid.u32;
	s5 =	sand.u32 $0x1, s5  }
0x5: {  	s9 =	simm.s32 $0x0;
	s6 =	sshll.u32 s1, $0x6;
	s7 =	sshll.u32 s5, $0x5  }
0x6: {  	[smem:$0x7FF] =	sst s2;
	s5 =	ssub.s32 $0x2, s5;
	s6 =	sor.u32 s7, s6  }
0x7: {  	_ =	strace $0x80000047;
	s8 =	sshrl.u32 s5, $0x1;
	s7 =	sshll.u32 s6, $0x7  }
0x8: {  	s6 =	sshll.u32 s6, $0x5;
	s5 =	ssub.s32 s5, s8;
	s8 =	simm.s32 $0x2  }
0x9: {  	s4 =	sadd.s32 s7, s4;
	s3 =	sadd.s32 s3, s6;
	s5 =	smax.u32 s5, $0x1  }
0xa: {  	v0 =	vimm.f32 $0.0e+00;
	v1 =	vimm.f32 $4.999999890e-03;
	vm0 =	vcmask $0x3F20;
	s6 =	simm.s32 $0x1;
	s7 =	simm.s32 $0x2000;
	s4 =	sadd.s32 $0x400, s4  }
.LBB2_1:
0xb: {  	[tilespmem:s2], [sflag:$0x1] =	stream.linear.gather [hbm4b:s3+s2], $0x2000, $0x38;
	[tilespmem:$0xA000] =	vst v63  }
0xc: {  	s10 =	simm.s32 $0x0  }
0xd: {  	s11 =	sand.u32 $0x380, s2;
	s10 =	sand.u32 $0x6000, s10  }
0xe: {  	s10 =	sor.u32 s11, s10  }
0xf: {  	[tilespmem:s10+$0x2000] =	vst v0  }
0x10: {  	[tilespmem:s10+$0x2010] =	vst v0  }
0x11: {  	[tilespmem:s10+$0x2020] =	vst v0  }
0x12: {  	[tilespmem:s10+$0x2030] =	vst v0  }
0x13: {  	[tilespmem:s10+$0x2040] =	vst v0  }
0x14: {  	[tilespmem:s10+$0x2050] =	vst v0  }
0x15: {  	[tilespmem:s10+$0x2060] =	vst v0  }
0x16: {  	[tilespmem:s10+$0x2070] =	vst v0  }
0x17: {  	[tilespmem:s10+$0x2400] =	vst v0  }
0x18: {  	[tilespmem:s10+$0x2410] =	vst v0  }
0x19: {  	[tilespmem:s10+$0x2420] =	vst v0  }
0x1a: {  	[tilespmem:s10+$0x2430] =	vst v0  }
0x1b: {  	[tilespmem:s10+$0x2440] =	vst v0  }
0x1c: {  	[tilespmem:s10+$0x2450] =	vst v0  }
0x1d: {  	[tilespmem:s10+$0x2460] =	vst v0  }
0x1e: {  	[tilespmem:s10+$0x2470] =	vst v0  }
0x1f: {  	[tilespmem:s10+$0x2800] =	vst v0  }
0x20: {  	[tilespmem:s10+$0x2810] =	vst v0  }
0x21: {  	[tilespmem:s10+$0x2820] =	vst v0  }
0x22: {  	[tilespmem:s10+$0x2830] =	vst v0  }
0x23: {  	[tilespmem:s10+$0x2840] =	vst v0  }
0x24: {  	[tilespmem:s10+$0x2850] =	vst v0  }
0x25: {  	[tilespmem:s10+$0x2860] =	vst v0  }
0x26: {  	[tilespmem:s10+$0x2870] =	vst v0  }
0x27: {  	[tilespmem:s10+$0x2C00] =	vst v0  }
0x28: {  	[tilespmem:s10+$0x2C10] =	vst v0  }
0x29: {  	[tilespmem:s10+$0x2C20] =	vst v0  }
0x2a: {  	[tilespmem:s10+$0x2C30] =	vst v0  }
0x2b: {  	[tilespmem:s10+$0x2C40] =	vst v0  }
0x2c: {  	[tilespmem:s10+$0x2C50] =	vst v0  }
0x2d: {  	[tilespmem:s10+$0x2C60] =	vst v0  }
0x2e: {  	[tilespmem:s10+$0x2C70] =	vst v0  }
0x2f: {  	[tilespmem:s10+$0x3000] =	vst v0  }
0x30: {  	[tilespmem:s10+$0x3010] =	vst v0  }
0x31: {  	[tilespmem:s10+$0x3020] =	vst v0  }
0x32: {  	[tilespmem:s10+$0x3030] =	vst v0  }
0x33: {  	[tilespmem:s10+$0x3040] =	vst v0  }
0x34: {  	[tilespmem:s10+$0x3050] =	vst v0  }
0x35: {  	[tilespmem:s10+$0x3060] =	vst v0  }
0x36: {  	[tilespmem:s10+$0x3070] =	vst v0  }
0x37: {  	[tilespmem:s10+$0x3400] =	vst v0  }
0x38: {  	[tilespmem:s10+$0x3410] =	vst v0  }
0x39: {  	[tilespmem:s10+$0x3420] =	vst v0  }
0x3a: {  	[tilespmem:s10+$0x3430] =	vst v0  }
0x3b: {  	[tilespmem:s10+$0x3440] =	vst v0  }
0x3c: {  	[tilespmem:s10+$0x3450] =	vst v0  }
0x3d: {  	[tilespmem:s10+$0x3460] =	vst v0  }
0x3e: {  	[tilespmem:s10+$0x3470] =	vst v0  }
0x3f: {  	[tilespmem:s10+$0x3800] =	vst v0  }
0x40: {  	[tilespmem:s10+$0x3810] =	vst v0  }
0x41: {  	[tilespmem:s10+$0x3820] =	vst v0  }
0x42: {  	[tilespmem:s10+$0x3830] =	vst v0  }
0x43: {  	s29 =	sand.u32 $0x7, s2;
	[tilespmem:s10+$0x3840] =	vst v0  }
0x44: {  	s11 =	sshll.u32 s29, $0x7;
	[tilespmem:s10+$0x3850] =	vst v0  }
0x45: {  	s15 =	sadd.s32 $0x0, s11;
	[tilespmem:s10+$0x3860] =	vst v0  }
0x46: {  	[tilespmem:s10+$0x3870] =	vst v0;
	s30 =	sor.u32 $0x1C00, s15  }
0x47: {  	s11 =	sor.u32 $0x1C10, s15;
	[tilespmem:s30+$0x2000] =	vst v0  }
0x48: {  	s12 =	simm.s32 $0x0;
	s13 =	simm.s32 $0x0;
	s31 =	sor.u32 $0x1C20, s15;
	[tilespmem:s11+$0x2000] =	vst v0  }
0x49: {  	s10 =	simm.s32 $0xFFFF8000;
	s14 =	sor.u32 $0x1C30, s15;
	s11 =	simm.s32 $0x80;
	[tilespmem:s31+$0x2000] =	vst v0  }
.LBB2_2:
0x4a: {  	p0 =	sne.s32 s11, $0xF80;
	[tilespmem:s14+$0x2000] =	vst v0;
	s14 =	sor.u32 $0x1C40, s15;
	s10 =	sadd.s32 $0x400, s10  }
0x4b: {  	s16 =	sadd.s32 $0x8000, s10;
	[tilespmem:s14+$0x2000] =	vst v0;
	s14 =	sor.u32 $0x1C50, s15  }
0x4c: {  	s17 =	sand.u32 $0x380, s11;
	s15 =	sor.u32 $0x1C58, s15;
	s16 =	sand.u32 $0x6000, s16;
	[tilespmem:s14+$0x2000] =	vst v0  }
0x4d: {  	s14 =	sor.u32 s17, s16;
	[tilespmem:s15+$0x2000] =	vst v0  }
0x4e: {  	[tilespmem:s14+$0x2000] =	vst v0  }
0x4f: {  	[tilespmem:s14+$0x2010] =	vst v0  }
0x50: {  	[tilespmem:s14+$0x2020] =	vst v0  }
0x51: {  	[tilespmem:s14+$0x2030] =	vst v0  }
0x52: {  	[tilespmem:s14+$0x2040] =	vst v0  }
0x53: {  	[tilespmem:s14+$0x2050] =	vst v0  }
0x54: {  	[tilespmem:s14+$0x2060] =	vst v0  }
0x55: {  	[tilespmem:s14+$0x2070] =	vst v0  }
0x56: {  	[tilespmem:s14+$0x2400] =	vst v0  }
0x57: {  	[tilespmem:s14+$0x2410] =	vst v0  }
0x58: {  	[tilespmem:s14+$0x2420] =	vst v0  }
0x59: {  	[tilespmem:s14+$0x2430] =	vst v0  }
0x5a: {  	[tilespmem:s14+$0x2440] =	vst v0  }
0x5b: {  	[tilespmem:s14+$0x2450] =	vst v0  }
0x5c: {  	[tilespmem:s14+$0x2460] =	vst v0  }
0x5d: {  	[tilespmem:s14+$0x2470] =	vst v0  }
0x5e: {  	[tilespmem:s14+$0x2800] =	vst v0  }
0x5f: {  	[tilespmem:s14+$0x2810] =	vst v0  }
0x60: {  	[tilespmem:s14+$0x2820] =	vst v0  }
0x61: {  	[tilespmem:s14+$0x2830] =	vst v0  }
0x62: {  	[tilespmem:s14+$0x2840] =	vst v0  }
0x63: {  	[tilespmem:s14+$0x2850] =	vst v0  }
0x64: {  	[tilespmem:s14+$0x2860] =	vst v0  }
0x65: {  	[tilespmem:s14+$0x2870] =	vst v0  }
0x66: {  	[tilespmem:s14+$0x2C00] =	vst v0  }
0x67: {  	[tilespmem:s14+$0x2C10] =	vst v0  }
0x68: {  	[tilespmem:s14+$0x2C20] =	vst v0  }
0x69: {  	[tilespmem:s14+$0x2C30] =	vst v0  }
0x6a: {  	[tilespmem:s14+$0x2C40] =	vst v0  }
0x6b: {  	[tilespmem:s14+$0x2C50] =	vst v0  }
0x6c: {  	[tilespmem:s14+$0x2C60] =	vst v0  }
0x6d: {  	[tilespmem:s14+$0x2C70] =	vst v0  }
0x6e: {  	[tilespmem:s14+$0x3000] =	vst v0  }
0x6f: {  	[tilespmem:s14+$0x3010] =	vst v0  }
0x70: {  	[tilespmem:s14+$0x3020] =	vst v0  }
0x71: {  	[tilespmem:s14+$0x3030] =	vst v0  }
0x72: {  	[tilespmem:s14+$0x3040] =	vst v0  }
0x73: {  	[tilespmem:s14+$0x3050] =	vst v0  }
0x74: {  	[tilespmem:s14+$0x3060] =	vst v0  }
0x75: {  	[tilespmem:s14+$0x3070] =	vst v0  }
0x76: {  	[tilespmem:s14+$0x3400] =	vst v0  }
0x77: {  	[tilespmem:s14+$0x3410] =	vst v0  }
0x78: {  	[tilespmem:s14+$0x3420] =	vst v0  }
0x79: {  	[tilespmem:s14+$0x3430] =	vst v0  }
0x7a: {  	[tilespmem:s14+$0x3440] =	vst v0  }
0x7b: {  	[tilespmem:s14+$0x3450] =	vst v0  }
0x7c: {  	[tilespmem:s14+$0x3460] =	vst v0  }
0x7d: {  	[tilespmem:s14+$0x3470] =	vst v0  }
0x7e: {  	[tilespmem:s14+$0x3800] =	vst v0  }
0x7f: {  	[tilespmem:s14+$0x3810] =	vst v0  }
0x80: {  	[tilespmem:s14+$0x3820] =	vst v0  }
0x81: {  	s12 =	sadd.s32 $0x1, s12;
	[tilespmem:s14+$0x3830] =	vst v0  }
0x82: {  	s15 =	sand.u32 $0x7, s12;
	[tilespmem:s14+$0x3840] =	vst v0  }
0x83: {  	s13 =	sadd.s32 $0x400, s13;
	s15 =	sshll.u32 s15, $0x7;
	[tilespmem:s14+$0x3850] =	vst v0  }
.Ltmp0:
0x84: {  	s15 =	sadd.s32 s15, s13;
	[tilespmem:s14+$0x3860] =	vst v0;
	(pc) =	sbr.rel @p0 .LBB2_2-.Ltmp0, $4  }
0x85: {  	[tilespmem:s14+$0x3870] =	vst v0;
	s14 =	sor.u32 $0x1C00, s15  }
0x86: {  	[tilespmem:s14+$0x2000] =	vst v0;
	s14 =	sor.u32 $0x1C10, s15  }
0x87: {  	[tilespmem:s14+$0x2000] =	vst v0;
	s14 =	sor.u32 $0x1C20, s15  }
0x88: {  	s11 =	sadd.s32 $0x80, s11;
	[tilespmem:s14+$0x2000] =	vst v0;
	s14 =	sor.u32 $0x1C30, s15  }
0x89: {  	[tilespmem:s14+$0x2000] =	vst v0;
	s10 =	sor.u32 $0x1C40, s15  }
0x8a: {  	s14 =	sor.u32 $0x1C50, s15;
	[tilespmem:s10+$0x2000] =	vst v0  }
0x8b: {  	s15 =	sor.u32 $0x1C58, s15;
	[tilespmem:s14+$0x2000] =	vst v0  }
0x8c: {  	[tilespmem:s15+$0x2000] =	vst v0  }
0x8d: {  	s11 =	simm.s32 $0x0;
	_ =	swait.ge [sflag:s6], $0x2000  }
0x8e: {  	s16 =	sand.u32 $0x1800, s11;
	s12 =	sand.u32 $0x380, s11;
	[sflag:s6] =	ssyncset.done $0x0  }
0x8f: {  	s10 =	sor.u32 s12, s16;
	[sflag:s6] =	ssyncadd.s32 $0xFFFFE000  }
0x90: {  	v2 =	vld [tilespmem:s10+$0x0];
	_ =	sdelay $0x3  }
0x91: {  	v4 =	vmov s11  }
0x92: {  	v3 =	vshll.u32 v4, $0xA;
	v5 =	vshll.u32 v2, $0x3  }
0x93: {  	v3 =	vand.u32 $0x6000, v3;
	v5 =	vand.u32 $0xFFFFFC00, v5  }
0x94: {  	v4 =	vshll.u32 v4, $0x7;
	v6 =	vand.u32 $0x7F, v2;
	v5 =	vadd.s32 v3, v5  }
0x95: {  	v2 =	vand.u32 $0x380, v4;
	v4 =	vor.u32 v6, v5  }
0x96: {  	v4 =	vor.u32 v2, v4;
	_ =	sdelay $0x4  }
0x97: {  	[tilespmem:v4+s7+$0x0] =	vst.idx.add.f32.msk $0xffff, v1  }
0x98: {  	v4 =	vld [tilespmem:s10+$0x10];
	_ =	sdelay $0x4  }
0x99: {  	v5 =	vshll.u32 v4, $0x3  }
0x9a: {  	v5 =	vand.u32 $0xFFFFFC00, v5  }
0x9b: {  	v4 =	vand.u32 $0x7F, v4;
	v5 =	vadd.s32 v3, v5  }
0x9c: {  	v4 =	vor.u32 v4, v5  }
0x9d: {  	v4 =	vor.u32 v2, v4  }
0x9e: {  	s17 =	simm.s32 $0x80;
	s18 =	simm.s32 $0x100  }
0x9f: {  	s11 =	sand.u32 $0x380, s17;
	s12 =	sand.u32 $0x1800, s18  }
0xa0: {  	s11 =	sor.u32 s11, s12  }
0xa1: {  	v6 =	vld [tilespmem:s11+$0x0]  }
0xa2: {  	[tilespmem:v4+s7+$0x0] =	vst.idx.add.f32.msk $0xffff, v1  }
0xa3: {  	v7 =	vld [tilespmem:s10+$0x20]  }
0xa4: {  	s19 =	simm.s32 $0x1  }
0xa5: {  	v4 =	vmov s19  }
0xa6: {  	v8 =	vshll.u32 v6, $0x3;
	v5 =	vshll.u32 v4, $0xA  }
0xa7: {  	v6 =	vand.u32 $0x7F, v6;
	v8 =	vand.u32 $0xFFFFFC00, v8;
	v5 =	vand.u32 $0x6000, v5  }
0xa8: {  	v4 =	vshll.u32 v4, $0x7;
	v8 =	vadd.s32 v5, v8;
	v9 =	vshll.u32 v7, $0x3  }
0xa9: {  	v4 =	vand.u32 $0x380, v4;
	v6 =	vor.u32 v6, v8;
	v8 =	vand.u32 $0xFFFFFC00, v9  }
0xaa: {  	v6 =	vor.u32 v4, v6;
	v7 =	vand.u32 $0x7F, v7;
	v8 =	vadd.s32 v3, v8  }
0xab: {  	v7 =	vor.u32 v7, v8  }
0xac: {  	v7 =	vor.u32 v2, v7;
	_ =	sdelay $0x2  }
0xad: {  	[tilespmem:v6+s7+$0x0] =	vst.idx.add.f32.msk $0xffff, v1  }
0xae: {  	v6 =	vld [tilespmem:s11+$0x10]  }
0xaf: {  	[tilespmem:v7+s7+$0x0] =	vst.idx.add.f32.msk $0xffff, v1  }
0xb0: {  	v7 =	vld [tilespmem:s10+$0x30];
	_ =	sdelay $0x2  }
0xb1: {  	v8 =	vshll.u32 v6, $0x3  }
0xb2: {  	v8 =	vand.u32 $0xFFFFFC00, v8  }
0xb3: {  	v6 =	vand.u32 $0x7F, v6;
	v8 =	vadd.s32 v5, v8;
	v9 =	vshll.u32 v7, $0x3  }
0xb4: {  	v6 =	vor.u32 v6, v8;
	v9 =	vand.u32 $0xFFFFFC00, v9  }
0xb5: {  	s20 =	simm.s32 $0x100;
	s13 =	simm.s32 $0x200;
	v6 =	vor.u32 v4, v6;
	v7 =	vand.u32 $0x7F, v7;
	v8 =	vadd.s32 v3, v9  }
0xb6: {  	s13 =	sand.u32 $0x1800, s13;
	s12 =	sand.u32 $0x380, s20;
	v7 =	vor.u32 v7, v8  }
0xb7: {  	s12 =	sor.u32 s12, s13;
	v7 =	vor.u32 v2, v7  }
0xb8: {  	v8 =	vld [tilespmem:s12+$0x0];
	_ =	sdelay $0x1  }
0xb9: {  	[tilespmem:v6+s7+$0x0] =	vst.idx.add.f32.msk $0xffff, v1  }
0xba: {  	s21 =	simm.s32 $0x2;
	v9 =	vld [tilespmem:s11+$0x20]  }
0xbb: {  	v6 =	vmov s21;
	[tilespmem:v7+s7+$0x0] =	vst.idx.add.f32.msk $0xffff, v1  }
0xbc: {  	v10 =	vshll.u32 v8, $0x3;
	v7 =	vshll.u32 v6, $0xA;
	v11 =	vld [tilespmem:s10+$0x40]  }
0xbd: {  	v10 =	vand.u32 $0xFFFFFC00, v10;
	v7 =	vand.u32 $0x6000, v7  }
0xbe: {  	v8 =	vand.u32 $0x7F, v8;
	v6 =	vshll.u32 v6, $0x7;
	v10 =	vadd.s32 v7, v10  }
0xbf: {  	v6 =	vand.u32 $0x380, v6;
	v8 =	vor.u32 v8, v10;
	v10 =	vshll.u32 v9, $0x3  }
0xc0: {  	v8 =	vor.u32 v6, v8;
	v10 =	vand.u32 $0xFFFFFC00, v10  }
0xc1: {  	v9 =	vand.u32 $0x7F, v9;
	v10 =	vadd.s32 v5, v10;
	v12 =	vshll.u32 v11, $0x3  }
0xc2: {  	v9 =	vor.u32 v9, v10;
	v10 =	vand.u32 $0xFFFFFC00, v12  }
0xc3: {  	v11 =	vand.u32 $0x7F, v11;
	v9 =	vor.u32 v4, v9;
	v10 =	vadd.s32 v3, v10  }
0xc4: {  	v10 =	vor.u32 v11, v10  }
0xc5: {  	[tilespmem:v8+s7+$0x0] =	vst.idx.add.f32.msk $0xffff, v1;
	v10 =	vor.u32 v2, v10  }
0xc6: {  	v8 =	vld [tilespmem:s12+$0x10];
	_ =	sdelay $0x1  }
0xc7: {  	[tilespmem:v9+s7+$0x0] =	vst.idx.add.f32.msk $0xffff, v1  }
0xc8: {  	v9 =	vld [tilespmem:s11+$0x30]  }
0xc9: {  	[tilespmem:v10+s7+$0x0] =	vst.idx.add.f32.msk $0xffff, v1  }
0xca: {  	v11 =	vshll.u32 v8, $0x3;
	v10 =	vld [tilespmem:s10+$0x50]  }
0xcb: {  	v11 =	vand.u32 $0xFFFFFC00, v11  }
0xcc: {  	v8 =	vand.u32 $0x7F, v8;
	v11 =	vadd.s32 v7, v11  }
0xcd: {  	v12 =	vshll.u32 v9, $0x3;
	v8 =	vor.u32 v8, v11  }
0xce: {  	v11 =	vand.u32 $0xFFFFFC00, v12;
	v8 =	vor.u32 v6, v8  }
0xcf: {  	s22 =	simm.s32 $0x180;
	s23 =	simm.s32 $0x300;
	v9 =	vand.u32 $0x7F, v9;
	v11 =	vadd.s32 v5, v11;
	v12 =	vshll.u32 v10, $0x3  }
0xd0: {  	s14 =	sand.u32 $0x1800, s23;
	s13 =	sand.u32 $0x380, s22;
	v9 =	vor.u32 v9, v11;
	v11 =	vand.u32 $0xFFFFFC00, v12  }
0xd1: {  	s13 =	sor.u32 s13, s14;
	v10 =	vand.u32 $0x7F, v10;
	v9 =	vor.u32 v4, v9;
	v11 =	vadd.s32 v3, v11  }
0xd2: {  	v12 =	vld [tilespmem:s13+$0x0];
	v10 =	vor.u32 v10, v11  }
0xd3: {  	[tilespmem:v8+s7+$0x0] =	vst.idx.add.f32.msk $0xffff, v1;
	v10 =	vor.u32 v2, v10  }
0xd4: {  	v11 =	vld [tilespmem:s12+$0x20]  }
0xd5: {  	s24 =	simm.s32 $0x3  }
0xd6: {  	v8 =	vmov s24;
	[tilespmem:v9+s7+$0x0] =	vst.idx.add.f32.msk $0xffff, v1  }
0xd7: {  	v9 =	vshll.u32 v8, $0xA;
	v13 =	vshll.u32 v12, $0x3;
	v14 =	vld [tilespmem:s11+$0x40]  }
0xd8: {  	v8 =	vshll.u32 v8, $0x7;
	v9 =	vand.u32 $0x6000, v9;
	v13 =	vand.u32 $0xFFFFFC00, v13;
	[tilespmem:v10+s7+$0x0] =	vst.idx.add.f32.msk $0xffff, v1  }
0xd9: {  	v10 =	vand.u32 $0x7F, v12;
	v12 =	vadd.s32 v9, v13;
	v15 =	vshll.u32 v11, $0x3;
	v13 =	vld [tilespmem:s10+$0x60]  }
0xda: {  	v8 =	vand.u32 $0x380, v8;
	v10 =	vor.u32 v10, v12;
	v12 =	vand.u32 $0xFFFFFC00, v15  }
0xdb: {  	v11 =	vand.u32 $0x7F, v11;
	v10 =	vor.u32 v8, v10;
	v12 =	vadd.s32 v7, v12  }
0xdc: {  	v15 =	vshll.u32 v14, $0x3;
	v11 =	vor.u32 v11, v12  }
0xdd: {  	v12 =	vand.u32 $0xFFFFFC00, v15;
	v11 =	vor.u32 v6, v11  }
0xde: {  	v14 =	vand.u32 $0x7F, v14;
	v12 =	vadd.s32 v5, v12;
	v15 =	vshll.u32 v13, $0x3  }
0xdf: {  	v12 =	vor.u32 v14, v12;
	v14 =	vand.u32 $0xFFFFFC00, v15  }
0xe0: {  	v12 =	vor.u32 v4, v12;
	[tilespmem:v10+s7+$0x0] =	vst.idx.add.f32.msk $0xffff, v1;
	v10 =	vand.u32 $0x7F, v13;
	v13 =	vadd.s32 v3, v14  }
0xe1: {  	v14 =	vld [tilespmem:s13+$0x10];
	v10 =	vor.u32 v10, v13  }
0xe2: {  	[tilespmem:v11+s7+$0x0] =	vst.idx.add.f32.msk $0xffff, v1;
	v10 =	vor.u32 v2, v10  }
0xe3: {  	v11 =	vld [tilespmem:s12+$0x30];
	_ =	sdelay $0x1  }
0xe4: {  	[tilespmem:v12+s7+$0x0] =	vst.idx.add.f32.msk $0xffff, v1  }
0xe5: {  	v12 =	vld [tilespmem:s11+$0x50];
	v13 =	vshll.u32 v14, $0x3  }
0xe6: {  	[tilespmem:v10+s7+$0x0] =	vst.idx.add.f32.msk $0xffff, v1;
	v10 =	vand.u32 $0xFFFFFC00, v13  }
0xe7: {  	v14 =	vand.u32 $0x7F, v14;
	v13 =	vshll.u32 v11, $0x3;
	v15 =	vld [tilespmem:s10+$0x70];
	v10 =	vadd.s32 v9, v10  }
0xe8: {  	v13 =	vand.u32 $0xFFFFFC00, v13;
	v10 =	vor.u32 v14, v10  }
0xe9: {  	s25 =	simm.s32 $0x200;
	s26 =	simm.s32 $0x400;
	v11 =	vand.u32 $0x7F, v11;
	v13 =	vadd.s32 v7, v13;
	v10 =	vor.u32 v8, v10  }
0xea: {  	s15 =	sand.u32 $0x1800, s26;
	s14 =	sand.u32 $0x380, s25;
	v11 =	vor.u32 v11, v13;
	v13 =	vshll.u32 v12, $0x3  }
0xeb: {  	s14 =	sor.u32 s14, s15;
	v11 =	vor.u32 v6, v11;
	v13 =	vand.u32 $0xFFFFFC00, v13  }
0xec: {  	v14 =	vld [tilespmem:s14+$0x0];
	v12 =	vand.u32 $0x7F, v12;
	v13 =	vadd.s32 v5, v13;
	v16 =	vshll.u32 v15, $0x3  }
0xed: {  	v12 =	vor.u32 v12, v13;
	v13 =	vand.u32 $0xFFFFFC00, v16  }
0xee: {  	v15 =	vand.u32 $0x7F, v15;
	v12 =	vor.u32 v4, v12;
	v13 =	vadd.s32 v3, v13;
	[tilespmem:v10+s7+$0x0] =	vst.idx.add.f32.msk $0xffff, v1  }
0xef: {  	s28 =	simm.s32 $0x4;
	v10 =	vor.u32 v15, v13;
	v13 =	vld [tilespmem:s13+$0x20]  }
0xf0: {  	v15 =	vmov s28;
	[tilespmem:v11+s7+$0x0] =	vst.idx.add.f32.msk $0xffff, v1;
	v16 =	vor.u32 v2, v10  }
0xf1: {  	v17 =	vshll.u32 v14, $0x3;
	v10 =	vshll.u32 v15, $0xA;
	v18 =	vld [tilespmem:s12+$0x40]  }
0xf2: {  	v11 =	vand.u32 $0x6000, v10;
	v10 =	vand.u32 $0xFFFFFC00, v17  }
0xf3: {  	v15 =	vshll.u32 v15, $0x7;
	[tilespmem:v12+s7+$0x0] =	vst.idx.add.f32.msk $0xffff, v1;
	v12 =	vand.u32 $0x7F, v14;
	v14 =	vadd.s32 v11, v10  }
0xf4: {  	v10 =	vand.u32 $0x380, v15;
	v15 =	vld [tilespmem:s11+$0x60];
	v12 =	vor.u32 v12, v14;
	v14 =	vshll.u32 v13, $0x3  }
0xf5: {  	v12 =	vor.u32 v10, v12;
	[tilespmem:v16+s7+$0x0] =	vst.idx.add.f32.msk $0xffff, v1;
	v14 =	vand.u32 $0xFFFFFC00, v14  }
0xf6: {  	v13 =	vand.u32 $0x7F, v13;
	v17 =	vshll.u32 v18, $0x3;
	v16 =	vld [tilespmem:s10+$0x400];
	v14 =	vadd.s32 v9, v14  }
0xf7: {  	v13 =	vor.u32 v13, v14;
	v14 =	vand.u32 $0xFFFFFC00, v17  }
0xf8: {  	v17 =	vand.u32 $0x7F, v18;
	v13 =	vor.u32 v8, v13;
	v14 =	vadd.s32 v7, v14  }
0xf9: {  	v14 =	vor.u32 v17, v14;
	v17 =	vshll.u32 v15, $0x3  }
0xfa: {  	[tilespmem:v12+s7+$0x0] =	vst.idx.add.f32.msk $0xffff, v1;
	v14 =	vor.u32 v6, v14;
	v17 =	vand.u32 $0xFFFFFC00, v17  }
0xfb: {  	v15 =	vand.u32 $0x7F, v15;
	v18 =	vld [tilespmem:s14+$0x10];
	v12 =	vshll.u32 v16, $0x3;
	v17 =	vadd.s32 v5, v17  }
0xfc: {  	v12 =	vand.u32 $0xFFFFFC00, v12;
	v15 =	vor.u32 v15, v17  }
0xfd: {  	v16 =	vand.u32 $0x7F, v16;
	v12 =	vadd.s32 v3, v12;
	[tilespmem:v13+s7+$0x0] =	vst.idx.add.f32.msk $0xffff, v1;
	v13 =	vor.u32 v4, v15  }
0xfe: {  	v12 =	vor.u32 v16, v12;
	v15 =	vld [tilespmem:s13+$0x30]  }
0xff: {  	v12 =	vor.u32 v2, v12;
	[tilespmem:v14+s7+$0x0] =	vst.idx.add.f32.msk $0xffff, v1  }
0x100: {  	v16 =	vshll.u32 v18, $0x3;
	v14 =	vld [tilespmem:s12+$0x50]  }
0x101: {  	v16 =	vand.u32 $0xFFFFFC00, v16  }
0x102: {  	v16 =	vadd.s32 v11, v16;
	[tilespmem:v13+s7+$0x0] =	vst.idx.add.f32.msk $0xffff, v1;
	v13 =	vand.u32 $0x7F, v18  }
0x103: {  	v17 =	vshll.u32 v15, $0x3;
	v18 =	vld [tilespmem:s11+$0x70];
	v13 =	vor.u32 v13, v16  }
0x104: {  	v16 =	vand.u32 $0xFFFFFC00, v17;
	[tilespmem:v12+s7+$0x0] =	vst.idx.add.f32.msk $0xffff, v1;
	v12 =	vor.u32 v10, v13  }
0x105: {  	s29 =	simm.s32 $0x280;
	s16 =	simm.s32 $0x500;
	v13 =	vand.u32 $0x7F, v15;
	v15 =	vadd.s32 v9, v16;
	v16 =	vld [tilespmem:s10+$0x410];
	v17 =	vshll.u32 v14, $0x3  }
0x106: {  	s16 =	sand.u32 $0x1800, s16;
	s15 =	sand.u32 $0x380, s29;
	v13 =	vor.u32 v13, v15;
	v15 =	vand.u32 $0xFFFFFC00, v17  }
0x107: {  	s15 =	sor.u32 s15, s16;
	v14 =	vand.u32 $0x7F, v14;
	v13 =	vor.u32 v8, v13;
	v15 =	vadd.s32 v7, v15  }
0x108: {  	s30 =	simm.s32 $0x5;
	v17 =	vld [tilespmem:s15+$0x0];
	v19 =	vshll.u32 v18, $0x3;
	v14 =	vor.u32 v14, v15  }
0x109: {  	v15 =	vmov s30;
	v19 =	vand.u32 $0xFFFFFC00, v19;
	v14 =	vor.u32 v6, v14;
	[tilespmem:v12+s7+$0x0] =	vst.idx.add.f32.msk $0xffff, v1  }
0x10a: {  	v12 =	vand.u32 $0x7F, v18;
	v18 =	vadd.s32 v5, v19;
	v19 =	vshll.u32 v16, $0x3;
	v20 =	vld [tilespmem:s14+$0x20]  }
0x10b: {  	v21 =	vshll.u32 v15, $0x7;
	v12 =	vor.u32 v12, v18;
	v18 =	vand.u32 $0xFFFFFC00, v19  }
0x10c: {  	v19 =	vor.u32 v4, v12;
	[tilespmem:v13+s7+$0x0] =	vst.idx.add.f32.msk $0xffff, v1;
	v12 =	vand.u32 $0x7F, v16;
	v13 =	vadd.s32 v3, v18  }
0x10d: {  	v15 =	vshll.u32 v15, $0xA;
	v16 =	vshll.u32 v17, $0x3;
	v18 =	vld [tilespmem:s13+$0x40];
	v13 =	vor.u32 v12, v13  }
0x10e: {  	v12 =	vand.u32 $0x6000, v15;
	v15 =	vand.u32 $0xFFFFFC00, v16;
	[tilespmem:v14+s7+$0x0] =	vst.idx.add.f32.msk $0xffff, v1;
	v14 =	vor.u32 v2, v13  }
0x10f: {  	v16 =	vand.u32 $0x7F, v17;
	v15 =	vadd.s32 v12, v15;
	v17 =	vld [tilespmem:s12+$0x60];
	v22 =	vshll.u32 v20, $0x3  }
0x110: {  	v13 =	vand.u32 $0x380, v21;
	v15 =	vor.u32 v16, v15;
	v16 =	vand.u32 $0xFFFFFC00, v22  }
0x111: {  	v15 =	vor.u32 v13, v15;
	[tilespmem:v19+s7+$0x0] =	vst.idx.add.f32.msk $0xffff, v1;
	v19 =	vand.u32 $0x7F, v20;
	v16 =	vadd.s32 v11, v16  }
0x112: {  	v20 =	vld [tilespmem:s11+$0x400];
	v21 =	vshll.u32 v18, $0x3;
	v16 =	vor.u32 v19, v16  }
0x113: {  	v19 =	vand.u32 $0xFFFFFC00, v21;
	[tilespmem:v14+s7+$0x0] =	vst.idx.add.f32.msk $0xffff, v1;
	v14 =	vor.u32 v10, v16  }
0x114: {  	v16 =	vand.u32 $0x7F, v18;
	v18 =	vadd.s32 v9, v19;
	v19 =	vld [tilespmem:s10+$0x420];
	v21 =	vshll.u32 v17, $0x3  }
0x115: {  	v16 =	vor.u32 v16, v18;
	v18 =	vand.u32 $0xFFFFFC00, v21  }
0x116: {  	[tilespmem:v15+s7+$0x0] =	vst.idx.add.f32.msk $0xffff, v1;
	v15 =	vand.u32 $0x7F, v17;
	v16 =	vor.u32 v8, v16;
	v17 =	vadd.s32 v7, v18  }
0x117: {  	v21 =	vld [tilespmem:s15+$0x10];
	v18 =	vshll.u32 v20, $0x3;
	v15 =	vor.u32 v15, v17  }
0x118: {  	v17 =	vand.u32 $0xFFFFFC00, v18;
	[tilespmem:v14+s7+$0x0] =	vst.idx.add.f32.msk $0xffff, v1;
	v14 =	vor.u32 v6, v15  }
0x119: {  	v15 =	vand.u32 $0x7F, v20;
	v17 =	vadd.s32 v5, v17;
	v18 =	vshll.u32 v19, $0x3;
	v22 =	vld [tilespmem:s14+$0x30]  }
0x11a: {  	v15 =	vor.u32 v15, v17;
	v17 =	vand.u32 $0xFFFFFC00, v18  }
0x11b: {  	v18 =	vand.u32 $0x7F, v19;
	v15 =	vor.u32 v4, v15;
	v17 =	vadd.s32 v3, v17;
	[tilespmem:v16+s7+$0x0] =	vst.idx.add.f32.msk $0xffff, v1  }
0x11c: {  	s17 =	simm.s32 $0x300;
	s18 =	simm.s32 $0x600;
	v16 =	vor.u32 v18, v17;
	v17 =	vld [tilespmem:s13+$0x50]  }
0x11d: {  	s31 =	simm.s32 $0x6;
	s20 =	sand.u32 $0x380, s17;
	s19 =	sand.u32 $0x1800, s18;
	v19 =	vshll.u32 v21, $0x3;
	v21 =	vand.u32 $0x7F, v21;
	v16 =	vor.u32 v2, v16;
	[tilespmem:v14+s7+$0x0] =	vst.idx.add.f32.msk $0xffff, v1  }
0x11e: {  	s16 =	sor.u32 s20, s19;
	v18 =	vmov s31;
	v19 =	vand.u32 $0xFFFFFC00, v19;
	v23 =	vshll.u32 v22, $0x3;
	v24 =	vld [tilespmem:s12+$0x70]  }
0x11f: {  	v20 =	vld [tilespmem:s16+$0x0];
	v14 =	vshll.u32 v18, $0x7;
	v19 =	vadd.s32 v12, v19;
	v23 =	vand.u32 $0xFFFFFC00, v23  }
0x120: {  	[tilespmem:v15+s7+$0x0] =	vst.idx.add.f32.msk $0xffff, v1;
	v15 =	vor.u32 v21, v19;
	v19 =	vand.u32 $0x7F, v22;
	v21 =	vadd.s32 v11, v23  }
0x121: {  	v23 =	vld [tilespmem:s11+$0x410];
	v22 =	vor.u32 v13, v15;
	v15 =	vor.u32 v19, v21;
	v19 =	vshll.u32 v17, $0x3  }
0x122: {  	[tilespmem:v16+s7+$0x0] =	vst.idx.add.f32.msk $0xffff, v1;
	v16 =	vshll.u32 v18, $0xA;
	v18 =	vor.u32 v10, v15;
	v15 =	vand.u32 $0xFFFFFC00, v19  }
0x123: {  	v17 =	vand.u32 $0x7F, v17;
	v25 =	vld [tilespmem:s10+$0x430];
	v15 =	vadd.s32 v9, v15;
	v19 =	vshll.u32 v24, $0x3  }
0x124: {  	v14 =	vand.u32 $0x380, v14;
	v15 =	vor.u32 v17, v15;
	v17 =	vand.u32 $0xFFFFFC00, v19  }
0x125: {  	v19 =	vand.u32 $0x7F, v24;
	v26 =	vor.u32 v8, v15;
	v17 =	vadd.s32 v7, v17  }
0x126: {  	v15 =	vand.u32 $0x6000, v16;
	[tilespmem:v22+s7+$0x0] =	vst.idx.add.f32.msk $0xffff, v1;
	v16 =	vor.u32 v19, v17;
	v17 =	vshll.u32 v23, $0x3  }
0x127: {  	v21 =	vshll.u32 v20, $0x3;
	v22 =	vld [tilespmem:s15+$0x20];
	v19 =	vor.u32 v6, v16;
	v16 =	vand.u32 $0xFFFFFC00, v17  }
0x128: {  	[tilespmem:v18+s7+$0x0] =	vst.idx.add.f32.msk $0xffff, v1;
	v17 =	vand.u32 $0x7F, v23;
	v16 =	vadd.s32 v5, v16;
	v18 =	vshll.u32 v25, $0x3  }
0x129: {  	v23 =	vand.u32 $0xFFFFFC00, v21;
	v21 =	vld [tilespmem:s14+$0x40];
	v16 =	vor.u32 v17, v16;
	v17 =	vand.u32 $0xFFFFFC00, v18  }
0x12a: {  	s19 =	simm.s32 $0x7;
	[tilespmem:v26+s7+$0x0] =	vst.idx.add.f32.msk $0xffff, v1;
	v18 =	vor.u32 v4, v16;
	v16 =	vand.u32 $0x7F, v25;
	v17 =	vadd.s32 v3, v17  }
.LBB2_4:
0x12b: {  	p0 =	sne.s32 s19, $0x1F;
	v20 =	vand.u32 $0x7F, v20;
	v23 =	vadd.s32 v15, v23;
	v24 =	vld [tilespmem:s13+$0x60];
	v16 =	vor.u32 v16, v17  }
0x12c: {  	v17 =	vor.u32 v20, v23;
	v20 =	vshll.u32 v22, $0x3;
	[tilespmem:v19+s7+$0x0] =	vst.idx.add.f32.msk $0xffff, v1;
	v16 =	vor.u32 v2, v16  }
0x12d: {  	v17 =	vor.u32 v14, v17;
	v19 =	vand.u32 $0xFFFFFC00, v20;
	v20 =	vld [tilespmem:s12+$0x400]  }
0x12e: {  	v22 =	vand.u32 $0x7F, v22;
	v19 =	vadd.s32 v12, v19;
	v23 =	vshll.u32 v21, $0x3  }
0x12f: {  	v19 =	vor.u32 v22, v19;
	v22 =	vand.u32 $0xFFFFFC00, v23;
	[tilespmem:v18+s7+$0x0] =	vst.idx.add.f32.msk $0xffff, v1  }
0x130: {  	v18 =	vor.u32 v13, v19;
	v19 =	vand.u32 $0x7F, v21;
	v21 =	vadd.s32 v11, v22;
	v22 =	vld [tilespmem:s11+$0x420]  }
0x131: {  	v19 =	vor.u32 v19, v21;
	v21 =	vshll.u32 v24, $0x3;
	[tilespmem:v16+s7+$0x0] =	vst.idx.add.f32.msk $0xffff, v1  }
0x132: {  	v16 =	vor.u32 v10, v19;
	v19 =	vand.u32 $0xFFFFFC00, v21;
	v21 =	vshll.u32 v20, $0x3;
	v23 =	vld [tilespmem:s10+$0x438];
	s10 =	smov.u32 s11;
	s11 =	smov.u32 s12;
	s12 =	smov.u32 s13  }
0x133: {  	s13 =	smov.u32 s14;
	s14 =	smov.u32 s15;
	s15 =	smov.u32 s16;
	[tilespmem:v17+s7+$0x0] =	vst.idx.add.f32.msk $0xffff, v1;
	v17 =	vand.u32 $0x7F, v24;
	v19 =	vadd.s32 v9, v19;
	v21 =	vand.u32 $0xFFFFFC00, v21  }
0x134: {  	s17 =	sadd.s32 $0x80, s17;
	s18 =	sadd.s32 $0x100, s18;
	v24 =	vld [tilespmem:s15+$0x10];
	v17 =	vor.u32 v17, v19;
	v19 =	vand.u32 $0x7F, v20;
	v20 =	vadd.s32 v7, v21  }
0x135: {  	s20 =	sand.u32 $0x380, s17;
	s16 =	sand.u32 $0x1800, s18;
	[tilespmem:v18+s7+$0x0] =	vst.idx.add.f32.msk $0xffff, v1;
	v17 =	vor.u32 v8, v17;
	v18 =	vor.u32 v19, v20;
	v19 =	vshll.u32 v22, $0x3  }
0x136: {  	s16 =	sor.u32 s20, s16;
	v21 =	vld [tilespmem:s14+$0x30];
	v18 =	vor.u32 v6, v18;
	v19 =	vand.u32 $0xFFFFFC00, v19  }
0x137: {  	v22 =	vand.u32 $0x7F, v22;
	v20 =	vld [tilespmem:s16+$0x0];
	v19 =	vadd.s32 v5, v19;
	v25 =	vshll.u32 v23, $0x3  }
0x138: {  	v26 =	vmov s19;
	[tilespmem:v16+s7+$0x0] =	vst.idx.add.f32.msk $0xffff, v1;
	v16 =	vor.u32 v22, v19;
	v19 =	vand.u32 $0xFFFFFC00, v25  }
0x139: {  	v23 =	vand.u32 $0x7F, v23;
	v22 =	vld [tilespmem:s13+$0x50];
	v16 =	vor.u32 v4, v16;
	v19 =	vadd.s32 v3, v19;
	v3 =	vmovc v5;
	v5 =	vmovc v7  }
0x13a: {  	v25 =	vshll.u32 v26, $0x7;
	v27 =	vshll.u32 v24, $0x3;
	v7 =	vmovc v9;
	[tilespmem:v17+s7+$0x0] =	vst.idx.add.f32.msk $0xffff, v1;
	v17 =	vor.u32 v23, v19  }
0x13b: {  	v9 =	vand.u32 $0xFFFFFC00, v27;
	v19 =	vshll.u32 v21, $0x3;
	v23 =	vld [tilespmem:s12+$0x70];
	v17 =	vor.u32 v2, v17;
	v2 =	vmovc v4;
	v4 =	vmovc v6  }
0x13c: {  	v24 =	vand.u32 $0x7F, v24;
	v9 =	vadd.s32 v15, v9;
	v6 =	vmovc v8;
	v19 =	vand.u32 $0xFFFFFC00, v19;
	[tilespmem:v18+s7+$0x0] =	vst.idx.add.f32.msk $0xffff, v1  }
0x13d: {  	v8 =	vmovc v10;
	v10 =	vmovc v13;
	v29 =	vor.u32 v24, v9;
	v18 =	vand.u32 $0x7F, v21;
	v19 =	vadd.s32 v12, v19;
	v21 =	vld [tilespmem:s11+$0x410]  }
0x13e: {  	v24 =	vor.u32 v14, v29;
	v28 =	vor.u32 v18, v19;
	v27 =	vshll.u32 v22, $0x3;
	[tilespmem:v16+s7+$0x0] =	vst.idx.add.f32.msk $0xffff, v1  }
0x13f: {  	v13 =	vmovc v14;
	v16 =	vshll.u32 v26, $0xA;
	v9 =	vmovc v11;
	v18 =	vor.u32 v10, v28;
	v19 =	vand.u32 $0xFFFFFC00, v27;
	v26 =	vld [tilespmem:s10+$0x430]  }
0x140: {  	v22 =	vand.u32 $0x7F, v22;
	v11 =	vmovc v12;
	v19 =	vadd.s32 v9, v19;
	v27 =	vshll.u32 v23, $0x3;
	[tilespmem:v17+s7+$0x0] =	vst.idx.add.f32.msk vm0, v1  }
0x141: {  	v14 =	vand.u32 $0x380, v25;
	v12 =	vmovc v15;
	v17 =	vor.u32 v22, v19;
	v19 =	vand.u32 $0xFFFFFC00, v27  }
0x142: {  	v22 =	vand.u32 $0x7F, v23;
	v17 =	vor.u32 v8, v17;
	v19 =	vadd.s32 v7, v19  }
.Ltmp1:
0x143: {  	v15 =	vand.u32 $0x6000, v16;
	v23 =	vshll.u32 v21, $0x3;
	[tilespmem:v24+s7+$0x0] =	vst.idx.add.f32.msk $0xffff, v1;
	v16 =	vor.u32 v22, v19;
	(pc) =	sbr.rel @p0 .LBB2_4-.Ltmp1, $4  }
0x144: {  	v24 =	vshll.u32 v20, $0x3;
	v22 =	vld [tilespmem:s15+$0x20];
	v19 =	vor.u32 v6, v16;
	v16 =	vand.u32 $0xFFFFFC00, v23  }
0x145: {  	v25 =	vshll.u32 v26, $0x3;
	[tilespmem:v18+s7+$0x0] =	vst.idx.add.f32.msk $0xffff, v1;
	v18 =	vand.u32 $0x7F, v21;
	v16 =	vadd.s32 v5, v16  }
0x146: {  	v23 =	vand.u32 $0xFFFFFC00, v24;
	v24 =	vand.u32 $0xFFFFFC00, v25;
	v21 =	vld [tilespmem:s14+$0x40];
	v16 =	vor.u32 v18, v16  }
0x147: {  	s19 =	sadd.s32 $0x1, s19;
	[tilespmem:v17+s7+$0x0] =	vst.idx.add.f32.msk $0xffff, v1;
	v18 =	vor.u32 v4, v16;
	v16 =	vand.u32 $0x7F, v26;
	v17 =	vadd.s32 v3, v24  }
0x148: {  	v20 =	vand.u32 $0x7F, v20;
	v23 =	vadd.s32 v15, v23  }
0x149: {  	v20 =	vor.u32 v20, v23  }
0x14a: {  	v20 =	vor.u32 v14, v20;
	_ =	sdelay $0x4  }
0x14b: {  	[tilespmem:v20+s7+$0x0] =	vst.idx.add.f32.msk $0xffff, v1  }
0x14c: {  	v20 =	vld [tilespmem:s16+$0x10];
	_ =	sdelay $0x4  }
0x14d: {  	v52 =	vshll.u32 v20, $0x3  }
0x14e: {  	v23 =	vand.u32 $0xFFFFFC00, v52  }
0x14f: {  	v20 =	vand.u32 $0x7F, v20;
	v23 =	vadd.s32 v15, v23  }
0x150: {  	v20 =	vor.u32 v20, v23  }
0x151: {  	v20 =	vor.u32 v14, v20;
	_ =	sdelay $0x4  }
0x152: {  	[tilespmem:v20+s7+$0x0] =	vst.idx.add.f32.msk $0xffff, v1  }
0x153: {  	v20 =	vld [tilespmem:s16+$0x20];
	_ =	sdelay $0x2  }
0x154: {  	v53 =	vshll.u32 v22, $0x3  }
0x155: {  	v23 =	vand.u32 $0xFFFFFC00, v53  }
0x156: {  	v54 =	vand.u32 $0x7F, v22;
	v23 =	vadd.s32 v12, v23;
	v24 =	vshll.u32 v20, $0x3  }
0x157: {  	v22 =	vor.u32 v54, v23;
	v55 =	vand.u32 $0xFFFFFC00, v24  }
0x158: {  	v22 =	vor.u32 v13, v22;
	v20 =	vand.u32 $0x7F, v20;
	v23 =	vadd.s32 v15, v55  }
0x159: {  	v20 =	vor.u32 v20, v23  }
0x15a: {  	v20 =	vor.u32 v14, v20;
	_ =	sdelay $0x2  }
0x15b: {  	[tilespmem:v22+s7+$0x0] =	vst.idx.add.f32.msk $0xffff, v1  }
0x15c: {  	v22 =	vld [tilespmem:s15+$0x30]  }
0x15d: {  	[tilespmem:v20+s7+$0x0] =	vst.idx.add.f32.msk $0xffff, v1  }
0x15e: {  	v20 =	vld [tilespmem:s16+$0x30];
	_ =	sdelay $0x2  }
0x15f: {  	v56 =	vshll.u32 v22, $0x3  }
0x160: {  	v23 =	vand.u32 $0xFFFFFC00, v56  }
0x161: {  	v22 =	vand.u32 $0x7F, v22;
	v23 =	vadd.s32 v12, v23;
	v57 =	vshll.u32 v20, $0x3  }
0x162: {  	v22 =	vor.u32 v22, v23;
	v58 =	vand.u32 $0xFFFFFC00, v57  }
0x163: {  	v22 =	vor.u32 v13, v22;
	v20 =	vand.u32 $0x7F, v20;
	v23 =	vadd.s32 v15, v58  }
0x164: {  	v20 =	vor.u32 v20, v23  }
0x165: {  	v20 =	vor.u32 v14, v20;
	_ =	sdelay $0x2  }
0x166: {  	[tilespmem:v22+s7+$0x0] =	vst.idx.add.f32.msk $0xffff, v1  }
0x167: {  	v22 =	vld [tilespmem:s15+$0x40]  }
0x168: {  	[tilespmem:v20+s7+$0x0] =	vst.idx.add.f32.msk $0xffff, v1  }
0x169: {  	v60 =	vld [tilespmem:s16+$0x40]  }
0x16a: {  	v59 =	vshll.u32 v21, $0x3  }
0x16b: {  	v20 =	vand.u32 $0xFFFFFC00, v59  }
0x16c: {  	v61 =	vand.u32 $0x7F, v21;
	v62 =	vshll.u32 v22, $0x3;
	v20 =	vadd.s32 v11, v20  }
0x16d: {  	v22 =	vand.u32 $0x7F, v22;
	v21 =	vand.u32 $0xFFFFFC00, v62;
	v20 =	vor.u32 v61, v20  }
0x16e: {  	v21 =	vadd.s32 v12, v21;
	v20 =	vor.u32 v10, v20;
	v63 =	vshll.u32 v60, $0x3  }
0x16f: {  	v21 =	vor.u32 v22, v21;
	v25 =	vand.u32 $0xFFFFFC00, v63  }
0x170: {  	v21 =	vor.u32 v13, v21;
	v23 =	vand.u32 $0x7F, v60;
	v22 =	vadd.s32 v15, v25  }
0x171: {  	v22 =	vor.u32 v23, v22  }
0x172: {  	v26 =	vor.u32 v14, v22  }
0x173: {  	[tilespmem:v20+s7+$0x0] =	vst.idx.add.f32.msk $0xffff, v1  }
0x174: {  	v27 =	vld [tilespmem:s14+$0x50]  }
0x175: {  	[tilespmem:v21+s7+$0x0] =	vst.idx.add.f32.msk $0xffff, v1  }
0x176: {  	v21 =	vld [tilespmem:s15+$0x50]  }
0x177: {  	[tilespmem:v26+s7+$0x0] =	vst.idx.add.f32.msk $0xffff, v1  }
0x178: {  	v29 =	vld [tilespmem:s16+$0x50]  }
0x179: {  	v28 =	vshll.u32 v27, $0x3  }
0x17a: {  	v20 =	vand.u32 $0xFFFFFC00, v28  }
0x17b: {  	v30 =	vshll.u32 v21, $0x3;
	v22 =	vand.u32 $0x7F, v27;
	v20 =	vadd.s32 v11, v20  }
0x17c: {  	v21 =	vand.u32 $0x7F, v21;
	v20 =	vor.u32 v22, v20;
	v22 =	vand.u32 $0xFFFFFC00, v30  }
0x17d: {  	v20 =	vor.u32 v10, v20;
	v22 =	vadd.s32 v12, v22;
	v31 =	vshll.u32 v29, $0x3  }
0x17e: {  	v21 =	vor.u32 v21, v22;
	v32 =	vand.u32 $0xFFFFFC00, v31  }
0x17f: {  	v21 =	vor.u32 v13, v21;
	v23 =	vand.u32 $0x7F, v29;
	v22 =	vadd.s32 v15, v32  }
0x180: {  	v33 =	vld [tilespmem:s13+$0x60];
	v22 =	vor.u32 v23, v22  }
0x181: {  	v34 =	vor.u32 v14, v22  }
0x182: {  	[tilespmem:v20+s7+$0x0] =	vst.idx.add.f32.msk $0xffff, v1  }
0x183: {  	v35 =	vld [tilespmem:s14+$0x60]  }
0x184: {  	[tilespmem:v21+s7+$0x0] =	vst.idx.add.f32.msk $0xffff, v1  }
0x185: {  	v36 =	vshll.u32 v33, $0x3;
	v37 =	vld [tilespmem:s15+$0x60]  }
0x186: {  	v21 =	vand.u32 $0xFFFFFC00, v36;
	[tilespmem:v34+s7+$0x0] =	vst.idx.add.f32.msk $0xffff, v1  }
0x187: {  	v38 =	vand.u32 $0x7F, v33;
	v21 =	vadd.s32 v9, v21;
	v25 =	vld [tilespmem:s16+$0x60]  }
0x188: {  	v20 =	vor.u32 v38, v21;
	v39 =	vshll.u32 v35, $0x3  }
0x189: {  	v20 =	vor.u32 v8, v20;
	v40 =	vand.u32 $0xFFFFFC00, v39  }
0x18a: {  	v22 =	vand.u32 $0x7F, v35;
	v21 =	vadd.s32 v11, v40;
	v41 =	vshll.u32 v37, $0x3  }
0x18b: {  	v23 =	vand.u32 $0x7F, v37;
	v21 =	vor.u32 v22, v21;
	v22 =	vand.u32 $0xFFFFFC00, v41  }
0x18c: {  	v21 =	vor.u32 v10, v21;
	v22 =	vadd.s32 v12, v22;
	v42 =	vshll.u32 v25, $0x3  }
0x18d: {  	v22 =	vor.u32 v23, v22;
	v43 =	vand.u32 $0xFFFFFC00, v42  }
0x18e: {  	[tilespmem:v20+s7+$0x0] =	vst.idx.add.f32.msk $0xffff, v1;
	v44 =	vor.u32 v13, v22;
	v45 =	vand.u32 $0x7F, v25;
	v23 =	vadd.s32 v15, v43  }
0x18f: {  	v46 =	vld [tilespmem:s13+$0x70];
	v22 =	vor.u32 v45, v23  }
0x190: {  	v47 =	vor.u32 v14, v22  }
0x191: {  	[tilespmem:v21+s7+$0x0] =	vst.idx.add.f32.msk $0xffff, v1  }
0x192: {  	v48 =	vld [tilespmem:s14+$0x70]  }
0x193: {  	[tilespmem:v44+s7+$0x0] =	vst.idx.add.f32.msk $0xffff, v1  }
0x194: {  	v49 =	vshll.u32 v46, $0x3;
	v50 =	vld [tilespmem:s15+$0x70]  }
0x195: {  	v20 =	vand.u32 $0xFFFFFC00, v49;
	[tilespmem:v47+s7+$0x0] =	vst.idx.add.f32.msk $0xffff, v1  }
0x196: {  	v51 =	vand.u32 $0x7F, v46;
	v20 =	vadd.s32 v9, v20;
	v53 =	vld [tilespmem:s16+$0x70]  }
0x197: {  	v20 =	vor.u32 v51, v20;
	v52 =	vshll.u32 v48, $0x3  }
0x198: {  	v20 =	vor.u32 v8, v20;
	v54 =	vand.u32 $0xFFFFFC00, v52  }
0x199: {  	v22 =	vand.u32 $0x7F, v48;
	v21 =	vadd.s32 v11, v54;
	v55 =	vshll.u32 v50, $0x3  }
0x19a: {  	v23 =	vand.u32 $0x7F, v50;
	v21 =	vor.u32 v22, v21;
	v57 =	vand.u32 $0xFFFFFC00, v55  }
0x19b: {  	v56 =	vor.u32 v10, v21;
	v21 =	vadd.s32 v12, v57;
	v59 =	vshll.u32 v53, $0x3  }
0x19c: {  	[tilespmem:v19+s7+$0x0] =	vst.idx.add.f32.msk $0xffff, v1;
	v21 =	vor.u32 v23, v21;
	v60 =	vand.u32 $0xFFFFFC00, v59  }
0x19d: {  	v58 =	vld [tilespmem:s12+$0x400];
	v61 =	vor.u32 v13, v21;
	v62 =	vand.u32 $0x7F, v53;
	v23 =	vadd.s32 v15, v60  }
0x19e: {  	[tilespmem:v20+s7+$0x0] =	vst.idx.add.f32.msk $0xffff, v1;
	v21 =	vor.u32 v62, v23  }
0x19f: {  	v63 =	vld [tilespmem:s13+$0x400];
	v28 =	vor.u32 v14, v21  }
0x1a0: {  	[tilespmem:v56+s7+$0x0] =	vst.idx.add.f32.msk $0xffff, v1  }
0x1a1: {  	v30 =	vld [tilespmem:s14+$0x400]  }
0x1a2: {  	v29 =	vshll.u32 v58, $0x3;
	[tilespmem:v61+s7+$0x0] =	vst.idx.add.f32.msk $0xffff, v1  }
0x1a3: {  	v21 =	vand.u32 $0xFFFFFC00, v29;
	v33 =	vld [tilespmem:s15+$0x400]  }
0x1a4: {  	v22 =	vand.u32 $0x7F, v58;
	v32 =	vshll.u32 v63, $0x3;
	v21 =	vadd.s32 v7, v21;
	[tilespmem:v28+s7+$0x0] =	vst.idx.add.f32.msk $0xffff, v1  }
0x1a5: {  	v34 =	vand.u32 $0x7F, v63;
	v31 =	vor.u32 v22, v21;
	v21 =	vand.u32 $0xFFFFFC00, v32;
	v36 =	vld [tilespmem:s16+$0x400]  }
0x1a6: {  	v20 =	vor.u32 v6, v31;
	v21 =	vadd.s32 v9, v21;
	v35 =	vshll.u32 v30, $0x3  }
0x1a7: {  	v19 =	vor.u32 v34, v21;
	v23 =	vand.u32 $0x7F, v30;
	v37 =	vand.u32 $0xFFFFFC00, v35  }
0x1a8: {  	v19 =	vor.u32 v8, v19;
	v21 =	vadd.s32 v11, v37;
	v38 =	vshll.u32 v33, $0x3  }
0x1a9: {  	v22 =	vand.u32 $0x7F, v33;
	v21 =	vor.u32 v23, v21;
	v40 =	vand.u32 $0xFFFFFC00, v38  }
0x1aa: {  	v39 =	vor.u32 v10, v21;
	v21 =	vadd.s32 v12, v40;
	v42 =	vshll.u32 v36, $0x3  }
0x1ab: {  	[tilespmem:v20+s7+$0x0] =	vst.idx.add.f32.msk $0xffff, v1;
	v21 =	vor.u32 v22, v21;
	v43 =	vand.u32 $0xFFFFFC00, v42  }
0x1ac: {  	v41 =	vld [tilespmem:s12+$0x410];
	v44 =	vor.u32 v13, v21;
	v45 =	vand.u32 $0x7F, v36;
	v22 =	vadd.s32 v15, v43  }
0x1ad: {  	[tilespmem:v19+s7+$0x0] =	vst.idx.add.f32.msk $0xffff, v1;
	v21 =	vor.u32 v45, v22  }
0x1ae: {  	v46 =	vld [tilespmem:s13+$0x410];
	v47 =	vor.u32 v14, v21  }
0x1af: {  	[tilespmem:v39+s7+$0x0] =	vst.idx.add.f32.msk $0xffff, v1  }
0x1b0: {  	v49 =	vld [tilespmem:s14+$0x410]  }
0x1b1: {  	v48 =	vshll.u32 v41, $0x3;
	[tilespmem:v44+s7+$0x0] =	vst.idx.add.f32.msk $0xffff, v1  }
0x1b2: {  	v21 =	vand.u32 $0xFFFFFC00, v48;
	v52 =	vld [tilespmem:s15+$0x410]  }
0x1b3: {  	v23 =	vand.u32 $0x7F, v41;
	v21 =	vadd.s32 v7, v21;
	v51 =	vshll.u32 v46, $0x3;
	[tilespmem:v47+s7+$0x0] =	vst.idx.add.f32.msk $0xffff, v1  }
0x1b4: {  	v53 =	vand.u32 $0x7F, v46;
	v50 =	vor.u32 v23, v21;
	v21 =	vand.u32 $0xFFFFFC00, v51;
	v55 =	vld [tilespmem:s16+$0x410]  }
0x1b5: {  	v19 =	vor.u32 v6, v50;
	v21 =	vadd.s32 v9, v21;
	v54 =	vshll.u32 v49, $0x3  }
0x1b6: {  	v20 =	vor.u32 v53, v21;
	v58 =	vand.u32 $0x7F, v49;
	v56 =	vand.u32 $0xFFFFFC00, v54  }
0x1b7: {  	v57 =	vor.u32 v8, v20;
	v21 =	vadd.s32 v11, v56;
	v60 =	vshll.u32 v52, $0x3  }
0x1b8: {  	[tilespmem:v18+s7+$0x0] =	vst.idx.add.f32.msk $0xffff, v1;
	v23 =	vand.u32 $0x7F, v52;
	v20 =	vor.u32 v58, v21;
	v62 =	vand.u32 $0xFFFFFC00, v60  }
0x1b9: {  	v59 =	vld [tilespmem:s11+$0x420];
	v61 =	vor.u32 v10, v20;
	v20 =	vadd.s32 v12, v62;
	v28 =	vshll.u32 v55, $0x3  }
0x1ba: {  	[tilespmem:v19+s7+$0x0] =	vst.idx.add.f32.msk $0xffff, v1;
	v20 =	vor.u32 v23, v20;
	v29 =	vand.u32 $0xFFFFFC00, v28  }
0x1bb: {  	v63 =	vld [tilespmem:s12+$0x420];
	v30 =	vor.u32 v13, v20;
	v31 =	vand.u32 $0x7F, v55;
	v23 =	vadd.s32 v15, v29  }
0x1bc: {  	[tilespmem:v57+s7+$0x0] =	vst.idx.add.f32.msk $0xffff, v1;
	v20 =	vor.u32 v31, v23  }
0x1bd: {  	v32 =	vld [tilespmem:s13+$0x420];
	v34 =	vor.u32 v14, v20  }
0x1be: {  	v16 =	vor.u32 v16, v17;
	v33 =	vshll.u32 v59, $0x3;
	[tilespmem:v61+s7+$0x0] =	vst.idx.add.f32.msk $0xffff, v1  }
0x1bf: {  	v16 =	vor.u32 v2, v16;
	v35 =	vand.u32 $0xFFFFFC00, v33;
	v37 =	vld [tilespmem:s14+$0x420]  }
0x1c0: {  	v22 =	vand.u32 $0x7F, v59;
	v36 =	vshll.u32 v63, $0x3;
	v20 =	vadd.s32 v5, v35;
	[tilespmem:v30+s7+$0x0] =	vst.idx.add.f32.msk $0xffff, v1  }
0x1c1: {  	v21 =	vand.u32 $0x7F, v63;
	v23 =	vand.u32 $0xFFFFFC00, v36;
	v20 =	vor.u32 v22, v20;
	v42 =	vld [tilespmem:s15+$0x420]  }
0x1c2: {  	v38 =	vadd.s32 v7, v23;
	v41 =	vshll.u32 v32, $0x3;
	v39 =	vor.u32 v4, v20;
	[tilespmem:v34+s7+$0x0] =	vst.idx.add.f32.msk $0xffff, v1  }
0x1c3: {  	v43 =	vand.u32 $0x7F, v32;
	v40 =	vor.u32 v21, v38;
	v21 =	vand.u32 $0xFFFFFC00, v41;
	v45 =	vld [tilespmem:s16+$0x420]  }
0x1c4: {  	v20 =	vor.u32 v6, v40;
	v21 =	vadd.s32 v9, v21;
	v44 =	vshll.u32 v37, $0x3  }
0x1c5: {  	v19 =	vor.u32 v43, v21;
	v47 =	vand.u32 $0x7F, v37;
	v46 =	vand.u32 $0xFFFFFC00, v44  }
0x1c6: {  	[tilespmem:v16+s7+$0x0] =	vst.idx.add.f32.msk $0xffff, v1;
	v19 =	vor.u32 v8, v19;
	v21 =	vadd.s32 v11, v46;
	v49 =	vshll.u32 v42, $0x3  }
0x1c7: {  	v51 =	vand.u32 $0x7F, v42;
	[tilespmem:v39+s7+$0x0] =	vst.idx.add.f32.msk $0xffff, v1;
	v48 =	vor.u32 v47, v21;
	v21 =	vand.u32 $0xFFFFFC00, v49  }
0x1c8: {  	v50 =	vld [tilespmem:s11+$0x430];
	v18 =	vor.u32 v10, v48;
	v21 =	vadd.s32 v12, v21;
	v52 =	vshll.u32 v45, $0x3  }
0x1c9: {  	[tilespmem:v20+s7+$0x0] =	vst.idx.add.f32.msk $0xffff, v1;
	v20 =	vor.u32 v51, v21;
	v22 =	vand.u32 $0xFFFFFC00, v52  }
0x1ca: {  	v53 =	vld [tilespmem:s12+$0x430];
	v54 =	vor.u32 v13, v20;
	v55 =	vand.u32 $0x7F, v45;
	v22 =	vadd.s32 v15, v22  }
0x1cb: {  	[tilespmem:v19+s7+$0x0] =	vst.idx.add.f32.msk $0xffff, v1;
	v20 =	vor.u32 v55, v22  }
0x1cc: {  	v56 =	vld [tilespmem:s13+$0x430];
	v57 =	vor.u32 v14, v20  }
0x1cd: {  	[tilespmem:v18+s7+$0x0] =	vst.idx.add.f32.msk $0xffff, v1;
	v58 =	vshll.u32 v50, $0x3  }
0x1ce: {  	v59 =	vld [tilespmem:s14+$0x430];
	v17 =	vand.u32 $0xFFFFFC00, v58  }
0x1cf: {  	v23 =	vand.u32 $0x7F, v50;
	v60 =	vshll.u32 v53, $0x3;
	v17 =	vadd.s32 v5, v17;
	[tilespmem:v54+s7+$0x0] =	vst.idx.add.f32.msk $0xffff, v1  }
0x1d0: {  	v61 =	vand.u32 $0x7F, v53;
	v22 =	vand.u32 $0xFFFFFC00, v60;
	v17 =	vor.u32 v23, v17;
	v63 =	vld [tilespmem:s15+$0x430]  }
0x1d1: {  	v62 =	vadd.s32 v7, v22;
	v27 =	vshll.u32 v56, $0x3;
	v17 =	vor.u32 v4, v17;
	[tilespmem:v57+s7+$0x0] =	vst.idx.add.f32.msk $0xffff, v1  }
0x1d2: {  	v24 =	vand.u32 $0x7F, v56;
	v19 =	vor.u32 v61, v62;
	v29 =	vand.u32 $0xFFFFFC00, v27;
	v31 =	vld [tilespmem:s16+$0x430]  }
0x1d3: {  	v35 =	vld [tilespmem:s10+$0x438];
	v28 =	vor.u32 v6, v19;
	v19 =	vadd.s32 v9, v29;
	v30 =	vshll.u32 v59, $0x3  }
0x1d4: {  	v32 =	vor.u32 v24, v19;
	v33 =	vand.u32 $0x7F, v59;
	v21 =	vand.u32 $0xFFFFFC00, v30  }
0x1d5: {  	v16 =	vor.u32 v8, v32;
	v34 =	vadd.s32 v11, v21;
	v36 =	vshll.u32 v63, $0x3  }
0x1d6: {  	v22 =	vand.u32 $0x7F, v63;
	v19 =	vor.u32 v33, v34;
	[tilespmem:v17+s7+$0x0] =	vst.idx.add.f32.msk $0xffff, v1;
	v38 =	vand.u32 $0xFFFFFC00, v36  }
0x1d7: {  	v37 =	vor.u32 v10, v19;
	v39 =	vld [tilespmem:s11+$0x438];
	v19 =	vadd.s32 v12, v38;
	v40 =	vshll.u32 v31, $0x3  }
0x1d8: {  	v44 =	vshll.u32 v35, $0x3;
	[tilespmem:v28+s7+$0x0] =	vst.idx.add.f32.msk $0xffff, v1;
	v41 =	vor.u32 v22, v19;
	v42 =	vand.u32 $0xFFFFFC00, v40  }
0x1d9: {  	v43 =	vld [tilespmem:s12+$0x438];
	v18 =	vor.u32 v13, v41;
	v23 =	vand.u32 $0x7F, v31;
	v19 =	vadd.s32 v15, v42  }
0x1da: {  	v46 =	vand.u32 $0xFFFFFC00, v44;
	[tilespmem:v16+s7+$0x0] =	vst.idx.add.f32.msk $0xffff, v1;
	v45 =	vor.u32 v23, v19  }
0x1db: {  	v3 =	vadd.s32 v3, v46;
	v21 =	vand.u32 $0x7F, v35;
	v47 =	vld [tilespmem:s13+$0x438];
	v16 =	vor.u32 v14, v45  }
0x1dc: {  	v3 =	vor.u32 v21, v3;
	[tilespmem:v37+s7+$0x0] =	vst.idx.add.f32.msk $0xffff, v1  }
0x1dd: {  	v2 =	vor.u32 v2, v3;
	v49 =	vld [tilespmem:s14+$0x438]  }
0x1de: {  	v48 =	vshll.u32 v39, $0x3;
	v51 =	vand.u32 $0x7F, v39;
	v50 =	vshll.u32 v43, $0x3;
	[tilespmem:v18+s7+$0x0] =	vst.idx.add.f32.msk $0xffff, v1  }
0x1df: {  	v3 =	vand.u32 $0xFFFFFC00, v48;
	v54 =	vand.u32 $0x7F, v43;
	v52 =	vand.u32 $0xFFFFFC00, v50;
	v53 =	vld [tilespmem:s15+$0x438]  }
0x1e0: {  	v3 =	vadd.s32 v5, v3;
	v5 =	vadd.s32 v7, v52;
	v56 =	vshll.u32 v47, $0x3;
	[tilespmem:v16+s7+$0x0] =	vst.idx.add.f32.msk $0xffff, v1  }
0x1e1: {  	v3 =	vor.u32 v51, v3;
	v55 =	vor.u32 v54, v5;
	v5 =	vand.u32 $0xFFFFFC00, v56;
	v57 =	vld [tilespmem:s16+$0x438]  }
0x1e2: {  	v59 =	vand.u32 $0x7F, v47;
	v3 =	vor.u32 v4, v3;
	v5 =	vadd.s32 v9, v5  }
0x1e3: {  	v4 =	vor.u32 v6, v55;
	v58 =	vshll.u32 v49, $0x3;
	v5 =	vor.u32 v59, v5  }
0x1e4: {  	v60 =	vand.u32 $0x7F, v49;
	v6 =	vand.u32 $0xFFFFFC00, v58;
	v5 =	vor.u32 v8, v5  }
0x1e5: {  	v6 =	vadd.s32 v11, v6;
	v61 =	vshll.u32 v53, $0x3;
	v63 =	vand.u32 $0x7F, v53  }
0x1e6: {  	v6 =	vor.u32 v60, v6;
	v8 =	vand.u32 $0xFFFFFC00, v61;
	v62 =	vshll.u32 v57, $0x3  }
0x1e7: {  	v6 =	vor.u32 v10, v6;
	v8 =	vadd.s32 v12, v8;
	v9 =	vand.u32 $0xFFFFFC00, v62  }
0x1e8: {  	v8 =	vor.u32 v63, v8;
	v7 =	vand.u32 $0x7F, v57;
	v9 =	vadd.s32 v15, v9  }
0x1e9: {  	[tilespmem:v2+s7+$0x0] =	vst.idx.add.f32.msk vm0, v1;
	v2 =	vor.u32 v13, v8;
	v7 =	vor.u32 v7, v9  }
0x1ea: {  	[tilespmem:v3+s7+$0x0] =	vst.idx.add.f32.msk vm0, v1;
	v3 =	vor.u32 v14, v7  }
0x1eb: {  	[tilespmem:v4+s7+$0x0] =	vst.idx.add.f32.msk vm0, v1  }
0x1ec: {  	[tilespmem:v5+s7+$0x0] =	vst.idx.add.f32.msk vm0, v1  }
0x1ed: {  	s9 =	sadd.s32 $0x1, s9;
	[tilespmem:v6+s7+$0x0] =	vst.idx.add.f32.msk vm0, v1  }
0x1ee: {  	p0 =	sne.s32 s9, s5;
	[tilespmem:v2+s7+$0x0] =	vst.idx.add.f32.msk vm0, v1  }
.Ltmp2:
0x1ef: {  	[tilespmem:v3+s7+$0x0] =	vst.idx.add.f32.msk vm0, v1;
	(pc) =	sbr.rel @p0 .LBB2_1-.Ltmp2, $4  }
0x1f0: {  	[hbm4b:s4+s2] =	stream.linear.scatter [tilespmem:s7], [sflag:$0x2], $0x8000, $0x38;
	[tilespmem:$0xA000] =	vst v63  }
0x1f1: {  	_ =	swait.ge [sflag:s8], $0x8000  }
0x1f2: {  	[sflag:s8] =	ssyncset.done $0x0  }
0x1f3: {  	[sflag:s8] =	ssyncadd.s32 $0xFFFF8000  }
0x1f4: {  	_ =	sfence.sel $0x180000  }
0x1f5: {  	[bflag:$0x0] =	sbarrier.arrive $0xFFFF  }
0x1f6: {  	p0 =	sne.s32 s1, $0x0;
	_ =	strace $0x90000047  }
0x1f7: {  	s0 =	sadd.s32 @!p0 $0x100000, s0;
	[bflag:$0x2] =	sbarrier.arrive $0xFFFF  }
0x1f8: {  	[sflag:s0] =	ssyncadd.tile.s32 @!p0 $0x1;
	_ =	shalt  }
.Lfunc_end2:
_tile_overlayer_lowered:
.L_overlay_start_2:
0x1f9: {  	(tag) =	ssettag $0x2  }
0x1fa: {  	s0 =	rddreg [dreg:$0x0];
	s2 =	stileid.u32  }
0x1fb: {  	s1 =	rddreg [dreg:$0x1];
	p0 =	sne.s32 s2, $0x0  }
0x1fc: {  	s3 =	rddreg [dreg:$0x2];
	[bflag:$0x3] =	sbarrier.arrive $0xFFFF;
	s2 =	simm.s32 @!p0 $0x1C02  }
0x1fd: {  	[timem:s3], [sflag:s2] =	dma.local @!p0 [hbm:s0], s1  }
0x1fe: {  	s0 =	simm.s32 @!p0 $0x2  }
0x1ff: {  	_ =	swait.ge @!p0 [sflag:s0], s1  }
0x200: {  	s1 =	ssub.s32 @!p0 $0x0, s1;
	[sflag:s0] =	ssyncset.done @!p0 $0x0  }
0x201: {  	[sflag:s0] =	ssyncadd.s32 @!p0 s1  }
0x202: {  	[bflag:$0x3] =	sbarrier.arrive $0xFFFF  }
0x203: {  	_ =	shalt  }

</sc_bundles>
